<compile_context>
chip_gen: v7x
topology: tpu7x:2x2x1
jax: 0.10.2.dev20260603
libtpu: 0.0.44.dev20260713+nightly
codegen_flags: <defaults>
</compile_context>

<pallas_src>
import functools

import jax
import jax.numpy as jnp
import numpy as np
from jax import lax
from jax.experimental import pallas as pl
from jax.experimental.pallas import tpu as pltpu
from jax.experimental.pallas import tpu_sc as plsc

N = 10000
D = 256
K = 256
R = 8
E = 160000

NPAD = 10240
EPAD = 163840
NW = 32
HW = K // 2
RPT = NPAD // NW
SE = 1024
NSTRIP = EPAD // SE
CH = 16
NB = 4
MCAP = SE + CH + 16


def _table_body(x_ref, w_ref, g_ref, t_ref):
    xb = x_ref[...]
    h = jnp.dot(xb, w_ref[0], preferred_element_type=jnp.float32)
    gvec = g_ref[pl.program_id(1)]
    logit = jnp.sum(xb * gvec[None, :], axis=1, keepdims=True)
    h = h * jax.nn.sigmoid(logit)
    wa = lax.bitcast_convert_type(h[:, :HW].astype(jnp.bfloat16),
                                  jnp.uint16).astype(jnp.int32)
    wb = lax.bitcast_convert_type(h[:, HW:].astype(jnp.bfloat16),
                                  jnp.uint16).astype(jnp.int32)
    t_ref[...] = wa | (wb << 16)


def _make_table(x_pad, weight, gw):
    nb = NPAD // 1024
    return pl.pallas_call(
        _table_body,
        grid=(nb, R),
        in_specs=[
            pl.BlockSpec((1024, D), lambda n, r: (n, 0)),
            pl.BlockSpec((1, D, K), lambda n, r: (r, 0, 0)),
            pl.BlockSpec((R, D), lambda n, r: (0, 0)),
        ],
        out_specs=pl.BlockSpec((1024, HW), lambda n, r: (r * nb + n, 0)),
        out_shape=jax.ShapeDtypeStruct((R * NPAD, HW), jnp.int32),
    )(x_pad, weight, gw)



def _sc_body(t_hbm, src_hbm, rel_hbm, dst_hbm, norm_hbm, out_hbm,
             sbuf, rbuf, dbuf, nbuf, meid, mg, mdl, mnr, buf, acc,
             sem_m, sem_g):
    c = lax.axis_index("c")
    s = lax.axis_index("s")
    lo = (s * 2 + c) * RPT
    zero16 = jnp.zeros((16,), jnp.int32)
    zero16f = jnp.zeros((16,), jnp.float32)
    iota16 = lax.iota(jnp.int32, 16)
    himask = jnp.full((16,), -65536, jnp.int32)

    @plsc.parallel_loop(0, RPT * (K // 16), unroll=8)
    def _fill_z(k):
        acc[k // (K // 16), pl.ds((k % (K // 16)) * 16, 16)] = zero16f

    def build(q, b):
        for gg in range(CH // 16):
            e16 = meid[pl.ds(q * CH + gg * 16, 16)]
            g16 = (plsc.load_gather(rbuf, [e16]) * NPAD
                   + plsc.load_gather(sbuf, [e16]))
            sl = pl.ds(gg * 16, 16)
            mg[b, sl] = g16
            mdl[b, sl] = plsc.load_gather(dbuf, [e16]) - lo
            mnr[b, sl] = plsc.load_gather(nbuf, [e16])

    def accum(b):
        def edge(e, carry):
            dl = mdl[b, pl.ds(e, 16)][0]
            se = mnr[b, pl.ds(e, 16)][0]
            for u in range(K // 32):
                w = buf[b, e, pl.ds(u * 16, 16)]
                a = lax.bitcast_convert_type(w << 16, jnp.float32)
                h = lax.bitcast_convert_type(w & himask, jnp.float32)
                ca = pl.ds(u * 16, 16)
                cb = pl.ds(HW + u * 16, 16)
                acc[dl, ca] = acc[dl, ca] + a * se
                acc[dl, cb] = acc[dl, cb] + h * se
            return carry
        lax.fori_loop(0, CH, edge, 0, unroll=2)

    def fire(b):
        pltpu.async_copy(t_hbm.at[mg.at[b]], buf.at[b], sem_g)

    def drain():
        pltpu.make_async_copy(t_hbm.at[pl.ds(0, CH)], buf.at[0],
                              sem_g).wait()

    def strip(t, carry):
        base = t * SE
        d1 = pltpu.async_copy(src_hbm.at[pl.ds(base, SE)],
                              sbuf.at[pl.ds(0, SE)], sem_m)
        d2 = pltpu.async_copy(rel_hbm.at[pl.ds(base, SE)],
                              rbuf.at[pl.ds(0, SE)], sem_m)
        d3 = pltpu.async_copy(dst_hbm.at[pl.ds(base, SE)],
                              dbuf.at[pl.ds(0, SE)], sem_m)
        d4 = pltpu.async_copy(norm_hbm.at[pl.ds(base, SE)],
                              nbuf.at[pl.ds(0, SE)], sem_m)
        d1.wait(); d2.wait(); d3.wait(); d4.wait()
        sbuf[pl.ds(SE, 16)] = zero16
        rbuf[pl.ds(SE, 16)] = zero16
        dbuf[pl.ds(SE, 16)] = zero16 + lo
        nbuf[pl.ds(SE, 16)] = zero16f

        @plsc.parallel_loop(0, SE // 16, unroll=4, carry=jnp.int32(0))
        def scan(g, m):
            dl = dbuf[pl.ds(g * 16, 16)] - lo
            ok = (dl >= 0) & (dl < RPT)
            cum = plsc.cumsum(jnp.where(ok, 1, 0))
            plsc.store_scatter(meid, [m + cum - 1], iota16 + g * 16,
                               mask=ok)
            return m + cum[15]
        m = scan

        for q in range(CH // 16):
            meid[pl.ds(m + q * 16, 16)] = zero16 + SE

        nch = jnp.maximum((m + CH - 1) // CH, 1)

        def chunk(q, carry2):
            @pl.when(q >= NB)
            def _tail():
                drain()
                accum((q - NB) % NB)

            @pl.when(q < nch)
            def _head():
                b = q % NB
                build(q, b)
                fire(b)
            return carry2
        lax.fori_loop(0, nch + NB, chunk, 0)
        return carry
    lax.fori_loop(0, NSTRIP, strip, 0)

    @plsc.parallel_loop(0, RPT * (K // 16), unroll=8)
    def _relu(k):
        sl = pl.ds((k % (K // 16)) * 16, 16)
        acc[k // (K // 16), sl] = jnp.maximum(acc[k // (K // 16), sl], 0.0)

    pltpu.sync_copy(acc, out_hbm.at[pl.ds(lo, RPT)])


def _sc_aggregate(table, src_p, rel_p, dst_p, norm_p):
    mesh = plsc.VectorSubcoreMesh(core_axis_name="c", subcore_axis_name="s")
    f = pl.kernel(
        _sc_body,
        out_type=jax.ShapeDtypeStruct((NPAD, K), jnp.float32),
        mesh=mesh,
        compiler_params=pltpu.CompilerParams(needs_layout_passes=False),
        scratch_types=[
            pltpu.VMEM((SE + 16,), jnp.int32),
            pltpu.VMEM((SE + 16,), jnp.int32),
            pltpu.VMEM((SE + 16,), jnp.int32),
            pltpu.VMEM((SE + 16,), jnp.float32),
            pltpu.VMEM((MCAP,), jnp.int32),
            pltpu.VMEM((NB, CH), jnp.int32),
            pltpu.VMEM((NB, CH + 16), jnp.int32),
            pltpu.VMEM((NB, CH + 16), jnp.float32),
            pltpu.VMEM((NB, CH, HW), jnp.int32),
            pltpu.VMEM((RPT, K), jnp.float32),
            pltpu.SemaphoreType.DMA,
            pltpu.SemaphoreType.DMA,
        ],
    )
    return f(table, src_p, rel_p, dst_p, norm_p)



def kernel(x, edge_index, rel_type, norm, weight, gate_weight):
    x_pad = jnp.pad(x, ((0, NPAD - N), (0, 0)))
    pad = EPAD - E
    spread = (jnp.arange(pad, dtype=jnp.int32) * 16) % N
    src_p = jnp.concatenate([edge_index[0], spread])
    dst_p = jnp.concatenate([edge_index[1], spread])
    rel_p = jnp.pad(rel_type, (0, pad))
    norm_p = jnp.pad(norm, (0, pad))
    gw = gate_weight[:, :, 0]

    table = _make_table(x_pad, weight, gw)
    out = _sc_aggregate(table, src_p, rel_p, dst_p, norm_p)
    return out[:N]

# --- scband reference (transcript-rebuilt; emitter-appended) ---
"""Pipeline reference for scband-rgcnlayer-58832462021238 (READ-ONLY COPY).

The authoritative reference and input builder live on the scoring server;
editing this copy changes nothing except your own understanding.
"""

import jax, jax.numpy as jnp
import numpy as np

N, E, D, K, R = 10000, 160000, 256, 256, 8

def setup_inputs(seed: int = 0) -> dict:
    key = jax.random.key(seed)
    ks = jax.random.split(key, 6)
    x = jax.random.normal(ks[0], (N, D), dtype=jnp.float32)
    edge_index = jax.random.randint(ks[1], (2, E), 0, N, dtype=jnp.int32)
    rel_type = jax.random.randint(ks[2], (E,), 0, R, dtype=jnp.int32)
    norm = jax.random.uniform(ks[3], (E,), dtype=jnp.float32)
    # xavier_uniform with relu gain for weight [R, D, K]
    gain_relu = np.sqrt(2.0)
    bound_w = gain_relu * np.sqrt(6.0 / (D + K))
    weight = jax.random.uniform(ks[4], (R, D, K), dtype=jnp.float32, minval=-bound_w, maxval=bound_w)
    # xavier_uniform with sigmoid gain for gate_weight [R, D, 1]
    bound_g = 1.0 * np.sqrt(6.0 / (D + 1))
    gate_weight = jax.random.uniform(ks[5], (R, D, 1), dtype=jnp.float32, minval=-bound_g, maxval=bound_g)
    return {"x": x, "edge_index": edge_index, "rel_type": rel_type, "norm": norm, "weight": weight, "gate_weight": gate_weight}

def reference(x, edge_index, rel_type, norm, weight, gate_weight):
    # Faithful RGCN message passing:
    #   msg_e = (h_src[e] @ weight[rel[e]]) * norm[e] * sigmoid(h_src[e] @ gate_weight[rel[e]])
    #   h_dst = relu(sum_e msg_e)
    # Mathematically identical reformulation avoiding a [E, D, K] gather:
    #   precompute per-relation node projections, then gather per edge.
    src = edge_index[0]
    dst = edge_index[1]
    n_nodes = x.shape[0]
    # [R, N, K]: x @ weight[r] for every relation r
    Hr = jnp.einsum('nd,rdk->rnk', x, weight)
    # per-edge gather: (x[src[e]] @ weight[rel[e]]) == Hr[rel[e], src[e]]
    msg = Hr[rel_type, src]  # [E, K]
    msg = msg * norm[:, None]
    # gate: sigmoid(x[src[e]] @ gate_weight[rel[e]])
    Gr = jnp.einsum('nd,rd->rn', x, gate_weight[:, :, 0])  # [R, N]
    gate = jax.nn.sigmoid(Gr[rel_type, src])[:, None]  # [E, 1]
    msg = msg * gate
    # fn.sum aggregation over destination nodes
    h = jax.ops.segment_sum(msg, dst, num_segments=n_nodes)  # [N, K]
    # apply_func with relu activation
    return jax.nn.relu(h)

if __name__ == "__main__":
    import jax
    _d = setup_inputs()
    print(jax.jit(kernel)(*tuple(_d.values())))

</pallas_src>

<mosaic_0001>
#map = affine_map<(d0, d1) -> (0, 0)>
#map1 = affine_map<(d0, d1) -> (0)>
module attributes {stable_mosaic.version = 14 : i64} {
  func.func @_sc_body(%arg0: i32, %arg1: i32, %arg2: memref<81920x128xi32, #tpu.memory_space<hbm>>, %arg3: memref<163840xi32, #tpu.memory_space<hbm>>, %arg4: memref<163840xi32, #tpu.memory_space<hbm>>, %arg5: memref<163840xi32, #tpu.memory_space<hbm>>, %arg6: memref<163840xf32, #tpu.memory_space<hbm>>, %arg7: memref<10240x256xf32, #tpu.memory_space<hbm>>, %arg8: memref<1040xi32, #tpu.memory_space<vmem>>, %arg9: memref<1040xi32, #tpu.memory_space<vmem>>, %arg10: memref<1040xi32, #tpu.memory_space<vmem>>, %arg11: memref<1040xf32, #tpu.memory_space<vmem>>, %arg12: memref<1056xi32, #tpu.memory_space<vmem>>, %arg13: memref<4x16xi32, #tpu.memory_space<vmem>>, %arg14: memref<4x32xi32, #tpu.memory_space<vmem>>, %arg15: memref<4x32xf32, #tpu.memory_space<vmem>>, %arg16: memref<4x16x128xi32, #tpu.memory_space<vmem>>, %arg17: memref<320x256xf32, #tpu.memory_space<vmem>>, %arg18: memref<!tpu.dma_semaphore, #tpu.memory_space<semaphore_mem>>, %arg19: memref<!tpu.dma_semaphore, #tpu.memory_space<semaphore_mem>>) attributes {dimension_semantics = [#tpu.dimension_semantics<core_parallel>, #tpu.dimension_semantics<subcore_parallel>], iteration_bounds = array<i64: 2, 16>, scalar_prefetch = 0 : i64, scratch_operands = 12 : i64, tpu.core_type = #tpu.core_type<sc_vector_subcore>, window_params = [{transform_indices = #map}, {transform_indices = #map1}, {transform_indices = #map1}, {transform_indices = #map1}, {transform_indices = #map1}, {transform_indices = #map}]} {
    %mul3A = arith.constant 2 : i32
    %mul3A_0 = arith.muli %arg1, %mul3A : i32
    %add3A = arith.addi %mul3A_0, %arg0 : i32
    %mul3A_1 = arith.constant 320 : i32
    %mul3A_2 = arith.muli %add3A, %mul3A_1 : i32
    %broadcast_in_dim3A = arith.constant 0 : i32
    %broadcast_in_dim3A_3 = vector.broadcast %broadcast_in_dim3A : i32 to vector<16xi32>
    %broadcast_in_dim3A_4 = arith.constant 0.000000e+00 : f32
    %broadcast_in_dim3A_5 = vector.broadcast %broadcast_in_dim3A_4 : f32 to vector<16xf32>
    %iota3A = tpu.iota {dimensions = array<i32: 0>} : vector<16xi32>
    %broadcast_in_dim3A_6 = arith.constant -65536 : i32
    %broadcast_in_dim3A_7 = vector.broadcast %broadcast_in_dim3A_6 : i32 to vector<16xi32>
    %parallel_loop3A = arith.constant 0 : i32
    %parallel_loop3A_8 = arith.constant 5120 : i32
    %parallel_loop3A_9 = arith.constant 1 : i32
    scf.for %parallel_loop3A_18 = %parallel_loop3A to %parallel_loop3A_8 step %parallel_loop3A_9  : i32 {
      %parallel_loop3A_19 = arith.constant 16 : i32
      %parallel_loop3A_20 = arith.divsi %parallel_loop3A_18, %parallel_loop3A_19 : i32
      %parallel_loop3A_21 = arith.constant 0 : i32
      %parallel_loop3A_22 = arith.cmpi sgt, %parallel_loop3A_18, %parallel_loop3A_21 : i32
      %parallel_loop3A_23 = arith.extui %parallel_loop3A_22 : i1 to i32
      %parallel_loop3A_24 = arith.constant 0 : i32
      %parallel_loop3A_25 = arith.cmpi slt, %parallel_loop3A_18, %parallel_loop3A_24 : i32
      %parallel_loop3A_26 = arith.extui %parallel_loop3A_25 : i1 to i32
      %parallel_loop3A_27 = arith.subi %parallel_loop3A_23, %parallel_loop3A_26 : i32
      %parallel_loop3A_28 = arith.constant 0 : i32
      %parallel_loop3A_29 = arith.cmpi sgt, %parallel_loop3A_19, %parallel_loop3A_28 : i32
      %parallel_loop3A_30 = arith.extui %parallel_loop3A_29 : i1 to i32
      %parallel_loop3A_31 = arith.constant 0 : i32
      %parallel_loop3A_32 = arith.cmpi slt, %parallel_loop3A_19, %parallel_loop3A_31 : i32
      %parallel_loop3A_33 = arith.extui %parallel_loop3A_32 : i1 to i32
      %parallel_loop3A_34 = arith.subi %parallel_loop3A_30, %parallel_loop3A_33 : i32
      %parallel_loop3A_35 = arith.cmpi ne, %parallel_loop3A_27, %parallel_loop3A_34 : i32
      %parallel_loop3A_36 = arith.remsi %parallel_loop3A_18, %parallel_loop3A_19 : i32
      %parallel_loop3A_37 = arith.constant 0 : i32
      %parallel_loop3A_38 = arith.cmpi ne, %parallel_loop3A_36, %parallel_loop3A_37 : i32
      %parallel_loop3A_39 = arith.andi %parallel_loop3A_35, %parallel_loop3A_38 : i1
      %parallel_loop3A_40 = arith.constant 1 : i32
      %parallel_loop3A_41 = arith.subi %parallel_loop3A_20, %parallel_loop3A_40 : i32
      %parallel_loop3A_42 = arith.select %parallel_loop3A_39, %parallel_loop3A_41, %parallel_loop3A_20 : i32
      %parallel_loop3A_43 = arith.constant 16 : i32
      %parallel_loop3A_44 = arith.constant 0 : i32
      %parallel_loop3A_45 = arith.cmpi eq, %parallel_loop3A_43, %parallel_loop3A_44 : i32
      %parallel_loop3A_46 = arith.constant 1 : i32
      %parallel_loop3A_47 = arith.select %parallel_loop3A_45, %parallel_loop3A_46, %parallel_loop3A_43 : i32
      %parallel_loop3A_48 = arith.remsi %parallel_loop3A_18, %parallel_loop3A_47 : i32
      %parallel_loop3A_49 = arith.constant 0 : i32
      %parallel_loop3A_50 = arith.cmpi ne, %parallel_loop3A_48, %parallel_loop3A_49 : i32
      %parallel_loop3A_51 = arith.constant 0 : i32
      %parallel_loop3A_52 = arith.cmpi slt, %parallel_loop3A_48, %parallel_loop3A_51 : i32
      %parallel_loop3A_53 = arith.constant 0 : i32
      %parallel_loop3A_54 = arith.cmpi slt, %parallel_loop3A_47, %parallel_loop3A_53 : i32
      %parallel_loop3A_55 = arith.xori %parallel_loop3A_52, %parallel_loop3A_54 : i1
      %parallel_loop3A_56 = arith.andi %parallel_loop3A_55, %parallel_loop3A_50 : i1
      %parallel_loop3A_57 = arith.addi %parallel_loop3A_48, %parallel_loop3A_47 : i32
      %parallel_loop3A_58 = arith.select %parallel_loop3A_56, %parallel_loop3A_57, %parallel_loop3A_48 : i32
      %parallel_loop3A_59 = arith.constant 16 : i32
      %parallel_loop3A_60 = arith.muli %parallel_loop3A_58, %parallel_loop3A_59 : i32
      %parallel_loop3A_61 = arith.index_cast %parallel_loop3A_42 : i32 to index
      %parallel_loop3A_62 = arith.index_cast %parallel_loop3A_60 : i32 to index
      %parallel_loop3A_63 = tpu.vector_load %arg17[%parallel_loop3A_61, %parallel_loop3A_62] {strides = array<i32>} : memref<320x256xf32, #tpu.memory_space<vmem>>, vector<16xf32>,
      tpu.vector_store %arg17[%parallel_loop3A_61, %parallel_loop3A_62], %broadcast_in_dim3A_5 {strides = array<i32>} : memref<320x256xf32, #tpu.memory_space<vmem>>, vector<16xf32>,
    } {sc.loop_unroll_factor = 8 : i64, sc.parallel_access}
    %scan3A = arith.constant 0 : i32
    %scan3A_10 = arith.constant 0 : i32
    %scan3A_11 = arith.constant 160 : i32
    %scan3A_12 = arith.addi %scan3A_10, %scan3A_11 : i32
    %scan3A_13 = arith.constant 1 : i32
    scf.for %scan3A_18 = %scan3A_10 to %scan3A_12 step %scan3A_13  : i32 {
      %mul3A_19 = arith.constant 1024 : i32
      %mul3A_20 = arith.muli %scan3A_18, %mul3A_19 : i32
      %dma_start3A = arith.constant 0 : i32
      %dma_start3A_21 = tpu.memref_slice %arg8[%dma_start3A] : memref<1040xi32, #tpu.memory_space<vmem>> -> memref<1024xi32, #tpu.memory_space<vmem>>
      %dma_start3A_22 = tpu.memref_slice %arg3[%mul3A_20] : memref<163840xi32, #tpu.memory_space<hbm>> -> memref<1024xi32, #tpu.memory_space<hbm>>
      %dma_start3A_23 = arith.constant 0 : i32
      %dma_start3A_24 = tpu.memref_slice %arg8[%dma_start3A_23] : memref<1040xi32, #tpu.memory_space<vmem>> -> memref<1024xi32, #tpu.memory_space<vmem>>
      %dma_start3A_25 = tpu.memref_slice %arg3[%mul3A_20] : memref<163840xi32, #tpu.memory_space<hbm>> -> memref<1024xi32, #tpu.memory_space<hbm>>
      tpu.enqueue_dma source(%dma_start3A_25 : memref<1024xi32, #tpu.memory_space<hbm>>) target(%dma_start3A_24 : memref<1024xi32, #tpu.memory_space<vmem>>) target_semaphore(%arg18 : memref<!tpu.dma_semaphore, #tpu.memory_space<semaphore_mem>>)
      %dma_start3A_26 = arith.constant 0 : i32
      %dma_start3A_27 = tpu.memref_slice %arg9[%dma_start3A_26] : memref<1040xi32, #tpu.memory_space<vmem>> -> memref<1024xi32, #tpu.memory_space<vmem>>
      %dma_start3A_28 = tpu.memref_slice %arg4[%mul3A_20] : memref<163840xi32, #tpu.memory_space<hbm>> -> memref<1024xi32, #tpu.memory_space<hbm>>
      %dma_start3A_29 = arith.constant 0 : i32
      %dma_start3A_30 = tpu.memref_slice %arg9[%dma_start3A_29] : memref<1040xi32, #tpu.memory_space<vmem>> -> memref<1024xi32, #tpu.memory_space<vmem>>
      %dma_start3A_31 = tpu.memref_slice %arg4[%mul3A_20] : memref<163840xi32, #tpu.memory_space<hbm>> -> memref<1024xi32, #tpu.memory_space<hbm>>
      tpu.enqueue_dma source(%dma_start3A_31 : memref<1024xi32, #tpu.memory_space<hbm>>) target(%dma_start3A_30 : memref<1024xi32, #tpu.memory_space<vmem>>) target_semaphore(%arg18 : memref<!tpu.dma_semaphore, #tpu.memory_space<semaphore_mem>>)
      %dma_start3A_32 = arith.constant 0 : i32
      %dma_start3A_33 = tpu.memref_slice %arg10[%dma_start3A_32] : memref<1040xi32, #tpu.memory_space<vmem>> -> memref<1024xi32, #tpu.memory_space<vmem>>
      %dma_start3A_34 = tpu.memref_slice %arg5[%mul3A_20] : memref<163840xi32, #tpu.memory_space<hbm>> -> memref<1024xi32, #tpu.memory_space<hbm>>
      %dma_start3A_35 = arith.constant 0 : i32
      %dma_start3A_36 = tpu.memref_slice %arg10[%dma_start3A_35] : memref<1040xi32, #tpu.memory_space<vmem>> -> memref<1024xi32, #tpu.memory_space<vmem>>
      %dma_start3A_37 = tpu.memref_slice %arg5[%mul3A_20] : memref<163840xi32, #tpu.memory_space<hbm>> -> memref<1024xi32, #tpu.memory_space<hbm>>
      tpu.enqueue_dma source(%dma_start3A_37 : memref<1024xi32, #tpu.memory_space<hbm>>) target(%dma_start3A_36 : memref<1024xi32, #tpu.memory_space<vmem>>) target_semaphore(%arg18 : memref<!tpu.dma_semaphore, #tpu.memory_space<semaphore_mem>>)
      %dma_start3A_38 = arith.constant 0 : i32
      %dma_start3A_39 = tpu.memref_slice %arg11[%dma_start3A_38] : memref<1040xf32, #tpu.memory_space<vmem>> -> memref<1024xf32, #tpu.memory_space<vmem>>
      %dma_start3A_40 = tpu.memref_slice %arg6[%mul3A_20] : memref<163840xf32, #tpu.memory_space<hbm>> -> memref<1024xf32, #tpu.memory_space<hbm>>
      %dma_start3A_41 = arith.constant 0 : i32
      %dma_start3A_42 = tpu.memref_slice %arg11[%dma_start3A_41] : memref<1040xf32, #tpu.memory_space<vmem>> -> memref<1024xf32, #tpu.memory_space<vmem>>
      %dma_start3A_43 = tpu.memref_slice %arg6[%mul3A_20] : memref<163840xf32, #tpu.memory_space<hbm>> -> memref<1024xf32, #tpu.memory_space<hbm>>
      tpu.enqueue_dma source(%dma_start3A_43 : memref<1024xf32, #tpu.memory_space<hbm>>) target(%dma_start3A_42 : memref<1024xf32, #tpu.memory_space<vmem>>) target_semaphore(%arg18 : memref<!tpu.dma_semaphore, #tpu.memory_space<semaphore_mem>>)
      %dma_wait3A = arith.constant 0 : i32
      %dma_wait3A_44 = tpu.memref_slice %arg8[%dma_wait3A] : memref<1040xi32, #tpu.memory_space<vmem>> -> memref<1024xi32, #tpu.memory_space<vmem>>
      %dma_wait3A_45 = tpu.memref_slice %arg3[%mul3A_20] : memref<163840xi32, #tpu.memory_space<hbm>> -> memref<1024xi32, #tpu.memory_space<hbm>>
      %dma_wait3A_46 = arith.constant 0 : i32
      %dma_wait3A_47 = tpu.memref_slice %arg8[%dma_wait3A_46] : memref<1040xi32, #tpu.memory_space<vmem>> -> memref<1024xi32, #tpu.memory_space<vmem>>
      %dma_wait3A_48 = tpu.memref_slice %arg3[%mul3A_20] : memref<163840xi32, #tpu.memory_space<hbm>> -> memref<1024xi32, #tpu.memory_space<hbm>>
      tpu.wait_dma2 semaphore(%arg18 : memref<!tpu.dma_semaphore, #tpu.memory_space<semaphore_mem>>) src(%dma_wait3A_48 : memref<1024xi32, #tpu.memory_space<hbm>>) dst(%dma_wait3A_47 : memref<1024xi32, #tpu.memory_space<vmem>>)
      %dma_wait3A_49 = arith.constant 0 : i32
      %dma_wait3A_50 = tpu.memref_slice %arg9[%dma_wait3A_49] : memref<1040xi32, #tpu.memory_space<vmem>> -> memref<1024xi32, #tpu.memory_space<vmem>>
      %dma_wait3A_51 = tpu.memref_slice %arg4[%mul3A_20] : memref<163840xi32, #tpu.memory_space<hbm>> -> memref<1024xi32, #tpu.memory_space<hbm>>
      %dma_wait3A_52 = arith.constant 0 : i32
      %dma_wait3A_53 = tpu.memref_slice %arg9[%dma_wait3A_52] : memref<1040xi32, #tpu.memory_space<vmem>> -> memref<1024xi32, #tpu.memory_space<vmem>>
      %dma_wait3A_54 = tpu.memref_slice %arg4[%mul3A_20] : memref<163840xi32, #tpu.memory_space<hbm>> -> memref<1024xi32, #tpu.memory_space<hbm>>
      tpu.wait_dma2 semaphore(%arg18 : memref<!tpu.dma_semaphore, #tpu.memory_space<semaphore_mem>>) src(%dma_wait3A_54 : memref<1024xi32, #tpu.memory_space<hbm>>) dst(%dma_wait3A_53 : memref<1024xi32, #tpu.memory_space<vmem>>)
      %dma_wait3A_55 = arith.constant 0 : i32
      %dma_wait3A_56 = tpu.memref_slice %arg10[%dma_wait3A_55] : memref<1040xi32, #tpu.memory_space<vmem>> -> memref<1024xi32, #tpu.memory_space<vmem>>
      %dma_wait3A_57 = tpu.memref_slice %arg5[%mul3A_20] : memref<163840xi32, #tpu.memory_space<hbm>> -> memref<1024xi32, #tpu.memory_space<hbm>>
      %dma_wait3A_58 = arith.constant 0 : i32
      %dma_wait3A_59 = tpu.memref_slice %arg10[%dma_wait3A_58] : memref<1040xi32, #tpu.memory_space<vmem>> -> memref<1024xi32, #tpu.memory_space<vmem>>
      %dma_wait3A_60 = tpu.memref_slice %arg5[%mul3A_20] : memref<163840xi32, #tpu.memory_space<hbm>> -> memref<1024xi32, #tpu.memory_space<hbm>>
      tpu.wait_dma2 semaphore(%arg18 : memref<!tpu.dma_semaphore, #tpu.memory_space<semaphore_mem>>) src(%dma_wait3A_60 : memref<1024xi32, #tpu.memory_space<hbm>>) dst(%dma_wait3A_59 : memref<1024xi32, #tpu.memory_space<vmem>>)
      %dma_wait3A_61 = arith.constant 0 : i32
      %dma_wait3A_62 = tpu.memref_slice %arg11[%dma_wait3A_61] : memref<1040xf32, #tpu.memory_space<vmem>> -> memref<1024xf32, #tpu.memory_space<vmem>>
      %dma_wait3A_63 = tpu.memref_slice %arg6[%mul3A_20] : memref<163840xf32, #tpu.memory_space<hbm>> -> memref<1024xf32, #tpu.memory_space<hbm>>
      %dma_wait3A_64 = arith.constant 0 : i32
      %dma_wait3A_65 = tpu.memref_slice %arg11[%dma_wait3A_64] : memref<1040xf32, #tpu.memory_space<vmem>> -> memref<1024xf32, #tpu.memory_space<vmem>>
      %dma_wait3A_66 = tpu.memref_slice %arg6[%mul3A_20] : memref<163840xf32, #tpu.memory_space<hbm>> -> memref<1024xf32, #tpu.memory_space<hbm>>
      tpu.wait_dma2 semaphore(%arg18 : memref<!tpu.dma_semaphore, #tpu.memory_space<semaphore_mem>>) src(%dma_wait3A_66 : memref<1024xf32, #tpu.memory_space<hbm>>) dst(%dma_wait3A_65 : memref<1024xf32, #tpu.memory_space<vmem>>)
      %swap3A = arith.constant 1024 : index
      %swap3A_67 = tpu.vector_load %arg8[%swap3A] {strides = array<i32>} : memref<1040xi32, #tpu.memory_space<vmem>>, vector<16xi32>,
      tpu.vector_store %arg8[%swap3A], %broadcast_in_dim3A_3 {strides = array<i32>} : memref<1040xi32, #tpu.memory_space<vmem>>, vector<16xi32>,
      %swap3A_68 = arith.constant 1024 : index
      %swap3A_69 = tpu.vector_load %arg9[%swap3A_68] {strides = array<i32>} : memref<1040xi32, #tpu.memory_space<vmem>>, vector<16xi32>,
      tpu.vector_store %arg9[%swap3A_68], %broadcast_in_dim3A_3 {strides = array<i32>} : memref<1040xi32, #tpu.memory_space<vmem>>, vector<16xi32>,
      %add3A_70 = vector.broadcast %mul3A_2 : i32 to vector<16xi32>
      %add3A_71 = arith.addi %broadcast_in_dim3A_3, %add3A_70 : vector<16xi32>
      %swap3A_72 = arith.constant 1024 : index
      %swap3A_73 = tpu.vector_load %arg10[%swap3A_72] {strides = array<i32>} : memref<1040xi32, #tpu.memory_space<vmem>>, vector<16xi32>,
      tpu.vector_store %arg10[%swap3A_72], %add3A_71 {strides = array<i32>} : memref<1040xi32, #tpu.memory_space<vmem>>, vector<16xi32>,
      %swap3A_74 = arith.constant 1024 : index
      %swap3A_75 = tpu.vector_load %arg11[%swap3A_74] {strides = array<i32>} : memref<1040xf32, #tpu.memory_space<vmem>>, vector<16xf32>,
      tpu.vector_store %arg11[%swap3A_74], %broadcast_in_dim3A_5 {strides = array<i32>} : memref<1040xf32, #tpu.memory_space<vmem>>, vector<16xf32>,
      %parallel_loop3A_76 = arith.constant 0 : i32
      %parallel_loop3A_77 = arith.constant 64 : i32
      %parallel_loop3A_78 = arith.constant 1 : i32
      %parallel_loop3A_79 = arith.constant 0 : i32
      %parallel_loop3A_80 = scf.for %parallel_loop3A_120 = %parallel_loop3A_76 to %parallel_loop3A_77 step %parallel_loop3A_78 iter_args(%parallel_loop3A_121 = %parallel_loop3A_79) -> (i32)  : i32 {
        %parallel_loop3A_122 = arith.constant 16 : i32
        %parallel_loop3A_123 = arith.muli %parallel_loop3A_120, %parallel_loop3A_122 : i32
        %parallel_loop3A_124 = arith.index_cast %parallel_loop3A_123 : i32 to index
        %parallel_loop3A_125 = tpu.vector_load %arg10[%parallel_loop3A_124] {strides = array<i32>} : memref<1040xi32, #tpu.memory_space<vmem>>, vector<16xi32>,
        %parallel_loop3A_126 = vector.broadcast %mul3A_2 : i32 to vector<16xi32>
        %parallel_loop3A_127 = arith.subi %parallel_loop3A_125, %parallel_loop3A_126 : vector<16xi32>
        %parallel_loop3A_128 = arith.constant 0 : i32
        %parallel_loop3A_129 = vector.broadcast %parallel_loop3A_128 : i32 to vector<16xi32>
        %parallel_loop3A_130 = arith.cmpi sge, %parallel_loop3A_127, %parallel_loop3A_129 : vector<16xi32>
        %parallel_loop3A_131 = arith.constant 320 : i32
        %parallel_loop3A_132 = vector.broadcast %parallel_loop3A_131 : i32 to vector<16xi32>
        %parallel_loop3A_133 = arith.cmpi slt, %parallel_loop3A_127, %parallel_loop3A_132 : vector<16xi32>
        %parallel_loop3A_134 = arith.andi %parallel_loop3A_130, %parallel_loop3A_133 : vector<16xi1>
        %parallel_loop3A_135 = arith.constant 1 : i32
        %parallel_loop3A_136 = arith.constant 0 : i32
        %parallel_loop3A_137 = vector.broadcast %parallel_loop3A_135 : i32 to vector<16xi32>
        %parallel_loop3A_138 = vector.broadcast %parallel_loop3A_136 : i32 to vector<16xi32>
        %parallel_loop3A_139 = arith.select %parallel_loop3A_134, %parallel_loop3A_137, %parallel_loop3A_138 : vector<16xi1>, vector<16xi32>
        %parallel_loop3A_140 = arith.constant true
        %parallel_loop3A_141 = vector.broadcast %parallel_loop3A_140 : i1 to vector<16xi1>
        %parallel_loop3A_142 = tpu.scan <sum>, %parallel_loop3A_139 masked %parallel_loop3A_141 : vector<16xi32>, vector<16xi1> -> vector<16xi32>
        %parallel_loop3A_143 = vector.broadcast %parallel_loop3A_121 : i32 to vector<16xi32>
        %parallel_loop3A_144 = arith.addi %parallel_loop3A_143, %parallel_loop3A_142 : vector<16xi32>
        %parallel_loop3A_145 = arith.constant 1 : i32
        %parallel_loop3A_146 = vector.broadcast %parallel_loop3A_145 : i32 to vector<16xi32>
        %parallel_loop3A_147 = arith.subi %parallel_loop3A_144, %parallel_loop3A_146 : vector<16xi32>
        %parallel_loop3A_148 = arith.constant 16 : i32
        %parallel_loop3A_149 = arith.muli %parallel_loop3A_120, %parallel_loop3A_148 : i32
        %parallel_loop3A_150 = vector.broadcast %parallel_loop3A_149 : i32 to vector<16xi32>
        %parallel_loop3A_151 = arith.addi %iota3A, %parallel_loop3A_150 : vector<16xi32>
        tpu.vector_store_idx %arg12[%parallel_loop3A_147], %parallel_loop3A_151 masked %parallel_loop3A_134 : memref<1056xi32, #tpu.memory_space<vmem>>[vector<16xi32>], vector<16xi32>, vector<16xi1>
        %parallel_loop3A_152 = vector.extract_strided_slice %parallel_loop3A_142 {offsets = [15], sizes = [1], strides = [1]} : vector<16xi32> to vector<1xi32>
        %parallel_loop3A_153 = vector.extract %parallel_loop3A_152[0] : i32 from vector<1xi32>
        %parallel_loop3A_154 = arith.addi %parallel_loop3A_121, %parallel_loop3A_153 : i32
        scf.yield %parallel_loop3A_154 : i32
      } {sc.loop_unroll_factor = 4 : i64, sc.parallel_access}
      %add3A_81 = arith.constant 1024 : i32
      %add3A_82 = vector.broadcast %add3A_81 : i32 to vector<16xi32>
      %add3A_83 = arith.addi %broadcast_in_dim3A_3, %add3A_82 : vector<16xi32>
      %add3A_84 = arith.constant 0 : i32
      %add3A_85 = arith.addi %parallel_loop3A_80, %add3A_84 : i32
      %swap3A_86 = arith.index_cast %add3A_85 : i32 to index
      %swap3A_87 = tpu.vector_load %arg12[%swap3A_86] {strides = array<i32>} : memref<1056xi32, #tpu.memory_space<vmem>>, vector<16xi32>,
      tpu.vector_store %arg12[%swap3A_86], %add3A_83 {strides = array<i32>} : memref<1056xi32, #tpu.memory_space<vmem>>, vector<16xi32>,
      %add3A_88 = arith.constant 16 : i32
      %add3A_89 = arith.addi %parallel_loop3A_80, %add3A_88 : i32
      %sub3A = arith.constant 1 : i32
      %sub3A_90 = arith.subi %add3A_89, %sub3A : i32
      %jit3A = arith.constant 16 : i32
      %div3A = arith.divsi %sub3A_90, %jit3A : i32
      %sign3A = arith.constant 0 : i32
      %sign3A_91 = arith.cmpi sgt, %sub3A_90, %sign3A : i32
      %sign3A_92 = arith.extui %sign3A_91 : i1 to i32
      %sign3A_93 = arith.constant 0 : i32
      %sign3A_94 = arith.cmpi slt, %sub3A_90, %sign3A_93 : i32
      %sign3A_95 = arith.extui %sign3A_94 : i1 to i32
      %sign3A_96 = arith.subi %sign3A_92, %sign3A_95 : i32
      %sign3A_97 = arith.constant 0 : i32
      %sign3A_98 = arith.cmpi sgt, %jit3A, %sign3A_97 : i32
      %sign3A_99 = arith.extui %sign3A_98 : i1 to i32
      %sign3A_100 = arith.constant 0 : i32
      %sign3A_101 = arith.cmpi slt, %jit3A, %sign3A_100 : i32
      %sign3A_102 = arith.extui %sign3A_101 : i1 to i32
      %sign3A_103 = arith.subi %sign3A_99, %sign3A_102 : i32
      %ne3A = arith.cmpi ne, %sign3A_96, %sign3A_103 : i32
      %rem3A = arith.remsi %sub3A_90, %jit3A : i32
      %ne3A_104 = arith.constant 0 : i32
      %ne3A_105 = arith.cmpi ne, %rem3A, %ne3A_104 : i32
      %and3A = arith.andi %ne3A, %ne3A_105 : i1
      %sub3A_106 = arith.constant 1 : i32
      %sub3A_107 = arith.subi %div3A, %sub3A_106 : i32
      %select_n3A = arith.select %and3A, %sub3A_107, %div3A : i32
      %max3A = arith.constant 1 : i32
      %max3A_108 = arith.maxsi %select_n3A, %max3A : i32
      %add3A_109 = arith.constant 4 : i32
      %add3A_110 = arith.addi %max3A_108, %add3A_109 : i32
      %while3A = arith.constant 0 : i32
      %while3A_111 = arith.constant 0 : i32
      %while3A_112 = arith.subi %add3A_110, %while3A_111 : i32
      %while3A_113 = arith.addi %while3A_111, %while3A_112 : i32
      %while3A_114 = arith.constant 1 : i32
      %while3A_115 = arith.divsi %while3A_112, %while3A_114 : i32
      %while3A_116 = arith.muli %while3A_115, %while3A_114 : i32
      %while3A_117 = arith.addi %while3A_111, %while3A_116 : i32
      %while3A_118 = arith.constant 1 : i32
      scf.for %while3A_120 = %while3A_111 to %while3A_117 step %while3A_118  : i32 {
        %ge3A = arith.constant 4 : i32
        %ge3A_121 = arith.cmpi sge, %while3A_120, %ge3A : i32
        %convert_element_type3A = arith.extui %ge3A_121 : i1 to i32
        %cond3A = arith.constant 0 : i32
        %cond3A_122 = arith.cmpi ne, %convert_element_type3A, %cond3A : i32
        scf.if %cond3A_122 {
          %dma_wait3A_126 = arith.constant 0 : i32
          %dma_wait3A_127 = arith.constant 0 : i32
          %dma_wait3A_128 = arith.constant 0 : i32
          %dma_wait3A_129 = tpu.memref_slice %arg16[%dma_wait3A_126, %dma_wait3A_127, %dma_wait3A_128] : memref<4x16x128xi32, #tpu.memory_space<vmem>> -> memref<1x16x128xi32, #tpu.memory_space<vmem>>
          %dma_wait3A_130 = tpu.memref_squeeze %dma_wait3A_129 : memref<1x16x128xi32, #tpu.memory_space<vmem>> -> memref<16x128xi32, #tpu.memory_space<vmem>>
          %dma_wait3A_131 = arith.constant 0 : i32
          %dma_wait3A_132 = arith.constant 0 : i32
          %dma_wait3A_133 = tpu.memref_slice %arg2[%dma_wait3A_131, %dma_wait3A_132] : memref<81920x128xi32, #tpu.memory_space<hbm>> -> memref<16x128xi32, #tpu.memory_space<hbm>>
          %dma_wait3A_134 = arith.constant 0 : i32
          %dma_wait3A_135 = arith.constant 0 : i32
          %dma_wait3A_136 = tpu.memref_slice %arg16[%dma_wait3A_126, %dma_wait3A_134, %dma_wait3A_135] : memref<4x16x128xi32, #tpu.memory_space<vmem>> -> memref<1x16x128xi32, #tpu.memory_space<vmem>>
          %dma_wait3A_137 = tpu.memref_squeeze %dma_wait3A_136 : memref<1x16x128xi32, #tpu.memory_space<vmem>> -> memref<16x128xi32, #tpu.memory_space<vmem>>
          %dma_wait3A_138 = arith.constant 0 : i32
          %dma_wait3A_139 = arith.constant 0 : i32
          %dma_wait3A_140 = tpu.memref_slice %arg2[%dma_wait3A_138, %dma_wait3A_139] : memref<81920x128xi32, #tpu.memory_space<hbm>> -> memref<16x128xi32, #tpu.memory_space<hbm>>
          tpu.wait_dma2 semaphore(%arg19 : memref<!tpu.dma_semaphore, #tpu.memory_space<semaphore_mem>>) src(%dma_wait3A_140 : memref<16x128xi32, #tpu.memory_space<hbm>>) dst(%dma_wait3A_137 : memref<16x128xi32, #tpu.memory_space<vmem>>)
          %sub3A_141 = arith.constant 4 : i32
          %sub3A_142 = arith.subi %while3A_120, %sub3A_141 : i32
          %jit3A_143 = arith.constant 4 : i32
          %eq3A = arith.constant 0 : i32
          %eq3A_144 = arith.cmpi eq, %jit3A_143, %eq3A : i32
          %jit3A_145 = arith.constant 1 : i32
          %select_n3A_146 = arith.select %eq3A_144, %jit3A_145, %jit3A_143 : i32
          %rem3A_147 = arith.remsi %sub3A_142, %select_n3A_146 : i32
          %ne3A_148 = arith.constant 0 : i32
          %ne3A_149 = arith.cmpi ne, %rem3A_147, %ne3A_148 : i32
          %lt3A_150 = arith.constant 0 : i32
          %lt3A_151 = arith.cmpi slt, %rem3A_147, %lt3A_150 : i32
          %lt3A_152 = arith.constant 0 : i32
          %lt3A_153 = arith.cmpi slt, %select_n3A_146, %lt3A_152 : i32
          %ne3A_154 = arith.xori %lt3A_151, %lt3A_153 : i1
          %and3A_155 = arith.andi %ne3A_154, %ne3A_149 : i1
          %add3A_156 = arith.addi %rem3A_147, %select_n3A_146 : i32
          %select_n3A_157 = arith.select %and3A_155, %add3A_156, %rem3A_147 : i32
          %scan3A_158 = arith.constant 0 : i32
          %scan3A_159 = arith.constant 0 : i32
          %scan3A_160 = arith.constant 16 : i32
          %scan3A_161 = arith.addi %scan3A_159, %scan3A_160 : i32
          %scan3A_162 = arith.constant 2 : i32
          scf.for %scan3A_164 = %scan3A_159 to %scan3A_161 step %scan3A_162  : i32 {
            %get3A = arith.index_cast %select_n3A_157 : i32 to index
            %get3A_165 = arith.index_cast %scan3A_164 : i32 to index
            %get3A_166 = tpu.vector_load %arg14[%get3A, %get3A_165] {strides = array<i32>} : memref<4x32xi32, #tpu.memory_space<vmem>>, vector<16xi32>,
            %slice3A = vector.extract_strided_slice %get3A_166 {offsets = [0], sizes = [1], strides = [1]} : vector<16xi32> to vector<1xi32>
            %squeeze3A = vector.extract %slice3A[0] : i32 from vector<1xi32>
            %get3A_167 = arith.index_cast %select_n3A_157 : i32 to index
            %get3A_168 = arith.index_cast %scan3A_164 : i32 to index
            %get3A_169 = tpu.vector_load %arg15[%get3A_167, %get3A_168] {strides = array<i32>} : memref<4x32xf32, #tpu.memory_space<vmem>>, vector<16xf32>,
            %slice3A_170 = vector.extract_strided_slice %get3A_169 {offsets = [0], sizes = [1], strides = [1]} : vector<16xf32> to vector<1xf32>
            %squeeze3A_171 = vector.extract %slice3A_170[0] : f32 from vector<1xf32>
            %get3A_172 = arith.index_cast %select_n3A_157 : i32 to index
            %get3A_173 = arith.index_cast %scan3A_164 : i32 to index
            %get3A_174 = arith.constant 0 : index
            %get3A_175 = tpu.vector_load %arg16[%get3A_172, %get3A_173, %get3A_174] {strides = array<i32>} : memref<4x16x128xi32, #tpu.memory_space<vmem>>, vector<16xi32>,
            %shift_left3A = arith.constant 16 : i32
            %shift_left3A_176 = vector.broadcast %shift_left3A : i32 to vector<16xi32>
            %shift_left3A_177 = arith.shli %get3A_175, %shift_left3A_176 : vector<16xi32>
            %bitcast_convert_type3A = tpu.bitcast %shift_left3A_177 : vector<16xi32> -> vector<16xf32>
            %and3A_178 = arith.andi %get3A_175, %broadcast_in_dim3A_7 : vector<16xi32>
            %bitcast_convert_type3A_179 = tpu.bitcast %and3A_178 : vector<16xi32> -> vector<16xf32>
            %get3A_180 = arith.index_cast %squeeze3A : i32 to index
            %get3A_181 = arith.constant 0 : index
            %get3A_182 = tpu.vector_load %arg17[%get3A_180, %get3A_181] {strides = array<i32>} : memref<320x256xf32, #tpu.memory_space<vmem>>, vector<16xf32>,
            %mul3A_183 = vector.broadcast %squeeze3A_171 : f32 to vector<16xf32>
            %mul3A_184 = arith.mulf %bitcast_convert_type3A, %mul3A_183 : vector<16xf32>
            %add3A_185 = arith.addf %get3A_182, %mul3A_184 : vector<16xf32>
            %swap3A_186 = arith.index_cast %squeeze3A : i32 to index
            %swap3A_187 = arith.constant 0 : index
            %swap3A_188 = tpu.vector_load %arg17[%swap3A_186, %swap3A_187] {strides = array<i32>} : memref<320x256xf32, #tpu.memory_space<vmem>>, vector<16xf32>,
            tpu.vector_store %arg17[%swap3A_186, %swap3A_187], %add3A_185 {strides = array<i32>} : memref<320x256xf32, #tpu.memory_space<vmem>>, vector<16xf32>,
            %get3A_189 = arith.index_cast %squeeze3A : i32 to index
            %get3A_190 = arith.constant 128 : index
            %get3A_191 = tpu.vector_load %arg17[%get3A_189, %get3A_190] {strides = array<i32>} : memref<320x256xf32, #tpu.memory_space<vmem>>, vector<16xf32>,
            %mul3A_192 = vector.broadcast %squeeze3A_171 : f32 to vector<16xf32>
            %mul3A_193 = arith.mulf %bitcast_convert_type3A_179, %mul3A_192 : vector<16xf32>
            %add3A_194 = arith.addf %get3A_191, %mul3A_193 : vector<16xf32>
            %swap3A_195 = arith.index_cast %squeeze3A : i32 to index
            %swap3A_196 = arith.constant 128 : index
            %swap3A_197 = tpu.vector_load %arg17[%swap3A_195, %swap3A_196] {strides = array<i32>} : memref<320x256xf32, #tpu.memory_space<vmem>>, vector<16xf32>,
            tpu.vector_store %arg17[%swap3A_195, %swap3A_196], %add3A_194 {strides = array<i32>} : memref<320x256xf32, #tpu.memory_space<vmem>>, vector<16xf32>,
            %get3A_198 = arith.index_cast %select_n3A_157 : i32 to index
            %get3A_199 = arith.index_cast %scan3A_164 : i32 to index
            %get3A_200 = arith.constant 16 : index
            %get3A_201 = tpu.vector_load %arg16[%get3A_198, %get3A_199, %get3A_200] {strides = array<i32>} : memref<4x16x128xi32, #tpu.memory_space<vmem>>, vector<16xi32>,
            %shift_left3A_202 = arith.constant 16 : i32
            %shift_left3A_203 = vector.broadcast %shift_left3A_202 : i32 to vector<16xi32>
            %shift_left3A_204 = arith.shli %get3A_201, %shift_left3A_203 : vector<16xi32>
            %bitcast_convert_type3A_205 = tpu.bitcast %shift_left3A_204 : vector<16xi32> -> vector<16xf32>
            %and3A_206 = arith.andi %get3A_201, %broadcast_in_dim3A_7 : vector<16xi32>
            %bitcast_convert_type3A_207 = tpu.bitcast %and3A_206 : vector<16xi32> -> vector<16xf32>
            %get3A_208 = arith.index_cast %squeeze3A : i32 to index
            %get3A_209 = arith.constant 16 : index
            %get3A_210 = tpu.vector_load %arg17[%get3A_208, %get3A_209] {strides = array<i32>} : memref<320x256xf32, #tpu.memory_space<vmem>>, vector<16xf32>,
            %mul3A_211 = vector.broadcast %squeeze3A_171 : f32 to vector<16xf32>
            %mul3A_212 = arith.mulf %bitcast_convert_type3A_205, %mul3A_211 : vector<16xf32>
            %add3A_213 = arith.addf %get3A_210, %mul3A_212 : vector<16xf32>
            %swap3A_214 = arith.index_cast %squeeze3A : i32 to index
            %swap3A_215 = arith.constant 16 : index
            %swap3A_216 = tpu.vector_load %arg17[%swap3A_214, %swap3A_215] {strides = array<i32>} : memref<320x256xf32, #tpu.memory_space<vmem>>, vector<16xf32>,
            tpu.vector_store %arg17[%swap3A_214, %swap3A_215], %add3A_213 {strides = array<i32>} : memref<320x256xf32, #tpu.memory_space<vmem>>, vector<16xf32>,
            %get3A_217 = arith.index_cast %squeeze3A : i32 to index
            %get3A_218 = arith.constant 144 : index
            %get3A_219 = tpu.vector_load %arg17[%get3A_217, %get3A_218] {strides = array<i32>} : memref<320x256xf32, #tpu.memory_space<vmem>>, vector<16xf32>,
            %mul3A_220 = vector.broadcast %squeeze3A_171 : f32 to vector<16xf32>
            %mul3A_221 = arith.mulf %bitcast_convert_type3A_207, %mul3A_220 : vector<16xf32>
            %add3A_222 = arith.addf %get3A_219, %mul3A_221 : vector<16xf32>
            %swap3A_223 = arith.index_cast %squeeze3A : i32 to index
            %swap3A_224 = arith.constant 144 : index
            %swap3A_225 = tpu.vector_load %arg17[%swap3A_223, %swap3A_224] {strides = array<i32>} : memref<320x256xf32, #tpu.memory_space<vmem>>, vector<16xf32>,
            tpu.vector_store %arg17[%swap3A_223, %swap3A_224], %add3A_222 {strides = array<i32>} : memref<320x256xf32, #tpu.memory_space<vmem>>, vector<16xf32>,
            %get3A_226 = arith.index_cast %select_n3A_157 : i32 to index
            %get3A_227 = arith.index_cast %scan3A_164 : i32 to index
            %get3A_228 = arith.constant 32 : index
            %get3A_229 = tpu.vector_load %arg16[%get3A_226, %get3A_227, %get3A_228] {strides = array<i32>} : memref<4x16x128xi32, #tpu.memory_space<vmem>>, vector<16xi32>,
            %shift_left3A_230 = arith.constant 16 : i32
            %shift_left3A_231 = vector.broadcast %shift_left3A_230 : i32 to vector<16xi32>
            %shift_left3A_232 = arith.shli %get3A_229, %shift_left3A_231 : vector<16xi32>
            %bitcast_convert_type3A_233 = tpu.bitcast %shift_left3A_232 : vector<16xi32> -> vector<16xf32>
            %and3A_234 = arith.andi %get3A_229, %broadcast_in_dim3A_7 : vector<16xi32>
            %bitcast_convert_type3A_235 = tpu.bitcast %and3A_234 : vector<16xi32> -> vector<16xf32>
            %get3A_236 = arith.index_cast %squeeze3A : i32 to index
            %get3A_237 = arith.constant 32 : index
            %get3A_238 = tpu.vector_load %arg17[%get3A_236, %get3A_237] {strides = array<i32>} : memref<320x256xf32, #tpu.memory_space<vmem>>, vector<16xf32>,
            %mul3A_239 = vector.broadcast %squeeze3A_171 : f32 to vector<16xf32>
            %mul3A_240 = arith.mulf %bitcast_convert_type3A_233, %mul3A_239 : vector<16xf32>
            %add3A_241 = arith.addf %get3A_238, %mul3A_240 : vector<16xf32>
            %swap3A_242 = arith.index_cast %squeeze3A : i32 to index
            %swap3A_243 = arith.constant 32 : index
            %swap3A_244 = tpu.vector_load %arg17[%swap3A_242, %swap3A_243] {strides = array<i32>} : memref<320x256xf32, #tpu.memory_space<vmem>>, vector<16xf32>,
            tpu.vector_store %arg17[%swap3A_242, %swap3A_243], %add3A_241 {strides = array<i32>} : memref<320x256xf32, #tpu.memory_space<vmem>>, vector<16xf32>,
            %get3A_245 = arith.index_cast %squeeze3A : i32 to index
            %get3A_246 = arith.constant 160 : index
            %get3A_247 = tpu.vector_load %arg17[%get3A_245, %get3A_246] {strides = array<i32>} : memref<320x256xf32, #tpu.memory_space<vmem>>, vector<16xf32>,
            %mul3A_248 = vector.broadcast %squeeze3A_171 : f32 to vector<16xf32>
            %mul3A_249 = arith.mulf %bitcast_convert_type3A_235, %mul3A_248 : vector<16xf32>
            %add3A_250 = arith.addf %get3A_247, %mul3A_249 : vector<16xf32>
            %swap3A_251 = arith.index_cast %squeeze3A : i32 to index
            %swap3A_252 = arith.constant 160 : index
            %swap3A_253 = tpu.vector_load %arg17[%swap3A_251, %swap3A_252] {strides = array<i32>} : memref<320x256xf32, #tpu.memory_space<vmem>>, vector<16xf32>,
            tpu.vector_store %arg17[%swap3A_251, %swap3A_252], %add3A_250 {strides = array<i32>} : memref<320x256xf32, #tpu.memory_space<vmem>>, vector<16xf32>,
            %get3A_254 = arith.index_cast %select_n3A_157 : i32 to index
            %get3A_255 = arith.index_cast %scan3A_164 : i32 to index
            %get3A_256 = arith.constant 48 : index
            %get3A_257 = tpu.vector_load %arg16[%get3A_254, %get3A_255, %get3A_256] {strides = array<i32>} : memref<4x16x128xi32, #tpu.memory_space<vmem>>, vector<16xi32>,
            %shift_left3A_258 = arith.constant 16 : i32
            %shift_left3A_259 = vector.broadcast %shift_left3A_258 : i32 to vector<16xi32>
            %shift_left3A_260 = arith.shli %get3A_257, %shift_left3A_259 : vector<16xi32>
            %bitcast_convert_type3A_261 = tpu.bitcast %shift_left3A_260 : vector<16xi32> -> vector<16xf32>
            %and3A_262 = arith.andi %get3A_257, %broadcast_in_dim3A_7 : vector<16xi32>
            %bitcast_convert_type3A_263 = tpu.bitcast %and3A_262 : vector<16xi32> -> vector<16xf32>
            %get3A_264 = arith.index_cast %squeeze3A : i32 to index
            %get3A_265 = arith.constant 48 : index
            %get3A_266 = tpu.vector_load %arg17[%get3A_264, %get3A_265] {strides = array<i32>} : memref<320x256xf32, #tpu.memory_space<vmem>>, vector<16xf32>,
            %mul3A_267 = vector.broadcast %squeeze3A_171 : f32 to vector<16xf32>
            %mul3A_268 = arith.mulf %bitcast_convert_type3A_261, %mul3A_267 : vector<16xf32>
            %add3A_269 = arith.addf %get3A_266, %mul3A_268 : vector<16xf32>
            %swap3A_270 = arith.index_cast %squeeze3A : i32 to index
            %swap3A_271 = arith.constant 48 : index
            %swap3A_272 = tpu.vector_load %arg17[%swap3A_270, %swap3A_271] {strides = array<i32>} : memref<320x256xf32, #tpu.memory_space<vmem>>, vector<16xf32>,
            tpu.vector_store %arg17[%swap3A_270, %swap3A_271], %add3A_269 {strides = array<i32>} : memref<320x256xf32, #tpu.memory_space<vmem>>, vector<16xf32>,
            %get3A_273 = arith.index_cast %squeeze3A : i32 to index
            %get3A_274 = arith.constant 176 : index
            %get3A_275 = tpu.vector_load %arg17[%get3A_273, %get3A_274] {strides = array<i32>} : memref<320x256xf32, #tpu.memory_space<vmem>>, vector<16xf32>,
            %mul3A_276 = vector.broadcast %squeeze3A_171 : f32 to vector<16xf32>
            %mul3A_277 = arith.mulf %bitcast_convert_type3A_263, %mul3A_276 : vector<16xf32>
            %add3A_278 = arith.addf %get3A_275, %mul3A_277 : vector<16xf32>
            %swap3A_279 = arith.index_cast %squeeze3A : i32 to index
            %swap3A_280 = arith.constant 176 : index
            %swap3A_281 = tpu.vector_load %arg17[%swap3A_279, %swap3A_280] {strides = array<i32>} : memref<320x256xf32, #tpu.memory_space<vmem>>, vector<16xf32>,
            tpu.vector_store %arg17[%swap3A_279, %swap3A_280], %add3A_278 {strides = array<i32>} : memref<320x256xf32, #tpu.memory_space<vmem>>, vector<16xf32>,
            %get3A_282 = arith.index_cast %select_n3A_157 : i32 to index
            %get3A_283 = arith.index_cast %scan3A_164 : i32 to index
            %get3A_284 = arith.constant 64 : index
            %get3A_285 = tpu.vector_load %arg16[%get3A_282, %get3A_283, %get3A_284] {strides = array<i32>} : memref<4x16x128xi32, #tpu.memory_space<vmem>>, vector<16xi32>,
            %shift_left3A_286 = arith.constant 16 : i32
            %shift_left3A_287 = vector.broadcast %shift_left3A_286 : i32 to vector<16xi32>
            %shift_left3A_288 = arith.shli %get3A_285, %shift_left3A_287 : vector<16xi32>
            %bitcast_convert_type3A_289 = tpu.bitcast %shift_left3A_288 : vector<16xi32> -> vector<16xf32>
            %and3A_290 = arith.andi %get3A_285, %broadcast_in_dim3A_7 : vector<16xi32>
            %bitcast_convert_type3A_291 = tpu.bitcast %and3A_290 : vector<16xi32> -> vector<16xf32>
            %get3A_292 = arith.index_cast %squeeze3A : i32 to index
            %get3A_293 = arith.constant 64 : index
            %get3A_294 = tpu.vector_load %arg17[%get3A_292, %get3A_293] {strides = array<i32>} : memref<320x256xf32, #tpu.memory_space<vmem>>, vector<16xf32>,
            %mul3A_295 = vector.broadcast %squeeze3A_171 : f32 to vector<16xf32>
            %mul3A_296 = arith.mulf %bitcast_convert_type3A_289, %mul3A_295 : vector<16xf32>
            %add3A_297 = arith.addf %get3A_294, %mul3A_296 : vector<16xf32>
            %swap3A_298 = arith.index_cast %squeeze3A : i32 to index
            %swap3A_299 = arith.constant 64 : index
            %swap3A_300 = tpu.vector_load %arg17[%swap3A_298, %swap3A_299] {strides = array<i32>} : memref<320x256xf32, #tpu.memory_space<vmem>>, vector<16xf32>,
            tpu.vector_store %arg17[%swap3A_298, %swap3A_299], %add3A_297 {strides = array<i32>} : memref<320x256xf32, #tpu.memory_space<vmem>>, vector<16xf32>,
            %get3A_301 = arith.index_cast %squeeze3A : i32 to index
            %get3A_302 = arith.constant 192 : index
            %get3A_303 = tpu.vector_load %arg17[%get3A_301, %get3A_302] {strides = array<i32>} : memref<320x256xf32, #tpu.memory_space<vmem>>, vector<16xf32>,
            %mul3A_304 = vector.broadcast %squeeze3A_171 : f32 to vector<16xf32>
            %mul3A_305 = arith.mulf %bitcast_convert_type3A_291, %mul3A_304 : vector<16xf32>
            %add3A_306 = arith.addf %get3A_303, %mul3A_305 : vector<16xf32>
            %swap3A_307 = arith.index_cast %squeeze3A : i32 to index
            %swap3A_308 = arith.constant 192 : index
            %swap3A_309 = tpu.vector_load %arg17[%swap3A_307, %swap3A_308] {strides = array<i32>} : memref<320x256xf32, #tpu.memory_space<vmem>>, vector<16xf32>,
            tpu.vector_store %arg17[%swap3A_307, %swap3A_308], %add3A_306 {strides = array<i32>} : memref<320x256xf32, #tpu.memory_space<vmem>>, vector<16xf32>,
            %get3A_310 = arith.index_cast %select_n3A_157 : i32 to index
            %get3A_311 = arith.index_cast %scan3A_164 : i32 to index
            %get3A_312 = arith.constant 80 : index
            %get3A_313 = tpu.vector_load %arg16[%get3A_310, %get3A_311, %get3A_312] {strides = array<i32>} : memref<4x16x128xi32, #tpu.memory_space<vmem>>, vector<16xi32>,
            %shift_left3A_314 = arith.constant 16 : i32
            %shift_left3A_315 = vector.broadcast %shift_left3A_314 : i32 to vector<16xi32>
            %shift_left3A_316 = arith.shli %get3A_313, %shift_left3A_315 : vector<16xi32>
            %bitcast_convert_type3A_317 = tpu.bitcast %shift_left3A_316 : vector<16xi32> -> vector<16xf32>
            %and3A_318 = arith.andi %get3A_313, %broadcast_in_dim3A_7 : vector<16xi32>
            %bitcast_convert_type3A_319 = tpu.bitcast %and3A_318 : vector<16xi32> -> vector<16xf32>
            %get3A_320 = arith.index_cast %squeeze3A : i32 to index
            %get3A_321 = arith.constant 80 : index
            %get3A_322 = tpu.vector_load %arg17[%get3A_320, %get3A_321] {strides = array<i32>} : memref<320x256xf32, #tpu.memory_space<vmem>>, vector<16xf32>,
            %mul3A_323 = vector.broadcast %squeeze3A_171 : f32 to vector<16xf32>
            %mul3A_324 = arith.mulf %bitcast_convert_type3A_317, %mul3A_323 : vector<16xf32>
            %add3A_325 = arith.addf %get3A_322, %mul3A_324 : vector<16xf32>
            %swap3A_326 = arith.index_cast %squeeze3A : i32 to index
            %swap3A_327 = arith.constant 80 : index
            %swap3A_328 = tpu.vector_load %arg17[%swap3A_326, %swap3A_327] {strides = array<i32>} : memref<320x256xf32, #tpu.memory_space<vmem>>, vector<16xf32>,
            tpu.vector_store %arg17[%swap3A_326, %swap3A_327], %add3A_325 {strides = array<i32>} : memref<320x256xf32, #tpu.memory_space<vmem>>, vector<16xf32>,
            %get3A_329 = arith.index_cast %squeeze3A : i32 to index
            %get3A_330 = arith.constant 208 : index
            %get3A_331 = tpu.vector_load %arg17[%get3A_329, %get3A_330] {strides = array<i32>} : memref<320x256xf32, #tpu.memory_space<vmem>>, vector<16xf32>,
            %mul3A_332 = vector.broadcast %squeeze3A_171 : f32 to vector<16xf32>
            %mul3A_333 = arith.mulf %bitcast_convert_type3A_319, %mul3A_332 : vector<16xf32>
            %add3A_334 = arith.addf %get3A_331, %mul3A_333 : vector<16xf32>
            %swap3A_335 = arith.index_cast %squeeze3A : i32 to index
            %swap3A_336 = arith.constant 208 : index
            %swap3A_337 = tpu.vector_load %arg17[%swap3A_335, %swap3A_336] {strides = array<i32>} : memref<320x256xf32, #tpu.memory_space<vmem>>, vector<16xf32>,
            tpu.vector_store %arg17[%swap3A_335, %swap3A_336], %add3A_334 {strides = array<i32>} : memref<320x256xf32, #tpu.memory_space<vmem>>, vector<16xf32>,
            %get3A_338 = arith.index_cast %select_n3A_157 : i32 to index
            %get3A_339 = arith.index_cast %scan3A_164 : i32 to index
            %get3A_340 = arith.constant 96 : index
            %get3A_341 = tpu.vector_load %arg16[%get3A_338, %get3A_339, %get3A_340] {strides = array<i32>} : memref<4x16x128xi32, #tpu.memory_space<vmem>>, vector<16xi32>,
            %shift_left3A_342 = arith.constant 16 : i32
            %shift_left3A_343 = vector.broadcast %shift_left3A_342 : i32 to vector<16xi32>
            %shift_left3A_344 = arith.shli %get3A_341, %shift_left3A_343 : vector<16xi32>
            %bitcast_convert_type3A_345 = tpu.bitcast %shift_left3A_344 : vector<16xi32> -> vector<16xf32>
            %and3A_346 = arith.andi %get3A_341, %broadcast_in_dim3A_7 : vector<16xi32>
            %bitcast_convert_type3A_347 = tpu.bitcast %and3A_346 : vector<16xi32> -> vector<16xf32>
            %get3A_348 = arith.index_cast %squeeze3A : i32 to index
            %get3A_349 = arith.constant 96 : index
            %get3A_350 = tpu.vector_load %arg17[%get3A_348, %get3A_349] {strides = array<i32>} : memref<320x256xf32, #tpu.memory_space<vmem>>, vector<16xf32>,
            %mul3A_351 = vector.broadcast %squeeze3A_171 : f32 to vector<16xf32>
            %mul3A_352 = arith.mulf %bitcast_convert_type3A_345, %mul3A_351 : vector<16xf32>
            %add3A_353 = arith.addf %get3A_350, %mul3A_352 : vector<16xf32>
            %swap3A_354 = arith.index_cast %squeeze3A : i32 to index
            %swap3A_355 = arith.constant 96 : index
            %swap3A_356 = tpu.vector_load %arg17[%swap3A_354, %swap3A_355] {strides = array<i32>} : memref<320x256xf32, #tpu.memory_space<vmem>>, vector<16xf32>,
            tpu.vector_store %arg17[%swap3A_354, %swap3A_355], %add3A_353 {strides = array<i32>} : memref<320x256xf32, #tpu.memory_space<vmem>>, vector<16xf32>,
            %get3A_357 = arith.index_cast %squeeze3A : i32 to index
            %get3A_358 = arith.constant 224 : index
            %get3A_359 = tpu.vector_load %arg17[%get3A_357, %get3A_358] {strides = array<i32>} : memref<320x256xf32, #tpu.memory_space<vmem>>, vector<16xf32>,
            %mul3A_360 = vector.broadcast %squeeze3A_171 : f32 to vector<16xf32>
            %mul3A_361 = arith.mulf %bitcast_convert_type3A_347, %mul3A_360 : vector<16xf32>
            %add3A_362 = arith.addf %get3A_359, %mul3A_361 : vector<16xf32>
            %swap3A_363 = arith.index_cast %squeeze3A : i32 to index
            %swap3A_364 = arith.constant 224 : index
            %swap3A_365 = tpu.vector_load %arg17[%swap3A_363, %swap3A_364] {strides = array<i32>} : memref<320x256xf32, #tpu.memory_space<vmem>>, vector<16xf32>,
            tpu.vector_store %arg17[%swap3A_363, %swap3A_364], %add3A_362 {strides = array<i32>} : memref<320x256xf32, #tpu.memory_space<vmem>>, vector<16xf32>,
            %get3A_366 = arith.index_cast %select_n3A_157 : i32 to index
            %get3A_367 = arith.index_cast %scan3A_164 : i32 to index
            %get3A_368 = arith.constant 112 : index
            %get3A_369 = tpu.vector_load %arg16[%get3A_366, %get3A_367, %get3A_368] {strides = array<i32>} : memref<4x16x128xi32, #tpu.memory_space<vmem>>, vector<16xi32>,
            %shift_left3A_370 = arith.constant 16 : i32
            %shift_left3A_371 = vector.broadcast %shift_left3A_370 : i32 to vector<16xi32>
            %shift_left3A_372 = arith.shli %get3A_369, %shift_left3A_371 : vector<16xi32>
            %bitcast_convert_type3A_373 = tpu.bitcast %shift_left3A_372 : vector<16xi32> -> vector<16xf32>
            %and3A_374 = arith.andi %get3A_369, %broadcast_in_dim3A_7 : vector<16xi32>
            %bitcast_convert_type3A_375 = tpu.bitcast %and3A_374 : vector<16xi32> -> vector<16xf32>
            %get3A_376 = arith.index_cast %squeeze3A : i32 to index
            %get3A_377 = arith.constant 112 : index
            %get3A_378 = tpu.vector_load %arg17[%get3A_376, %get3A_377] {strides = array<i32>} : memref<320x256xf32, #tpu.memory_space<vmem>>, vector<16xf32>,
            %mul3A_379 = vector.broadcast %squeeze3A_171 : f32 to vector<16xf32>
            %mul3A_380 = arith.mulf %bitcast_convert_type3A_373, %mul3A_379 : vector<16xf32>
            %add3A_381 = arith.addf %get3A_378, %mul3A_380 : vector<16xf32>
            %swap3A_382 = arith.index_cast %squeeze3A : i32 to index
            %swap3A_383 = arith.constant 112 : index
            %swap3A_384 = tpu.vector_load %arg17[%swap3A_382, %swap3A_383] {strides = array<i32>} : memref<320x256xf32, #tpu.memory_space<vmem>>, vector<16xf32>,
            tpu.vector_store %arg17[%swap3A_382, %swap3A_383], %add3A_381 {strides = array<i32>} : memref<320x256xf32, #tpu.memory_space<vmem>>, vector<16xf32>,
            %get3A_385 = arith.index_cast %squeeze3A : i32 to index
            %get3A_386 = arith.constant 240 : index
            %get3A_387 = tpu.vector_load %arg17[%get3A_385, %get3A_386] {strides = array<i32>} : memref<320x256xf32, #tpu.memory_space<vmem>>, vector<16xf32>,
            %mul3A_388 = vector.broadcast %squeeze3A_171 : f32 to vector<16xf32>
            %mul3A_389 = arith.mulf %bitcast_convert_type3A_375, %mul3A_388 : vector<16xf32>
            %add3A_390 = arith.addf %get3A_387, %mul3A_389 : vector<16xf32>
            %swap3A_391 = arith.index_cast %squeeze3A : i32 to index
            %swap3A_392 = arith.constant 240 : index
            %swap3A_393 = tpu.vector_load %arg17[%swap3A_391, %swap3A_392] {strides = array<i32>} : memref<320x256xf32, #tpu.memory_space<vmem>>, vector<16xf32>,
            tpu.vector_store %arg17[%swap3A_391, %swap3A_392], %add3A_390 {strides = array<i32>} : memref<320x256xf32, #tpu.memory_space<vmem>>, vector<16xf32>,
            %scan3A_394 = arith.constant 1 : i32
            %scan3A_395 = arith.addi %scan3A_164, %scan3A_394 : i32
            %get3A_396 = arith.index_cast %select_n3A_157 : i32 to index
            %get3A_397 = arith.index_cast %scan3A_395 : i32 to index
            %get3A_398 = tpu.vector_load %arg14[%get3A_396, %get3A_397] {strides = array<i32>} : memref<4x32xi32, #tpu.memory_space<vmem>>, vector<16xi32>,
            %slice3A_399 = vector.extract_strided_slice %get3A_398 {offsets = [0], sizes = [1], strides = [1]} : vector<16xi32> to vector<1xi32>
            %squeeze3A_400 = vector.extract %slice3A_399[0] : i32 from vector<1xi32>
            %get3A_401 = arith.index_cast %select_n3A_157 : i32 to index
            %get3A_402 = arith.index_cast %scan3A_395 : i32 to index
            %get3A_403 = tpu.vector_load %arg15[%get3A_401, %get3A_402] {strides = array<i32>} : memref<4x32xf32, #tpu.memory_space<vmem>>, vector<16xf32>,
            %slice3A_404 = vector.extract_strided_slice %get3A_403 {offsets = [0], sizes = [1], strides = [1]} : vector<16xf32> to vector<1xf32>
            %squeeze3A_405 = vector.extract %slice3A_404[0] : f32 from vector<1xf32>
            %get3A_406 = arith.index_cast %select_n3A_157 : i32 to index
            %get3A_407 = arith.index_cast %scan3A_395 : i32 to index
            %get3A_408 = arith.constant 0 : index
            %get3A_409 = tpu.vector_load %arg16[%get3A_406, %get3A_407, %get3A_408] {strides = array<i32>} : memref<4x16x128xi32, #tpu.memory_space<vmem>>, vector<16xi32>,
            %shift_left3A_410 = arith.constant 16 : i32
            %shift_left3A_411 = vector.broadcast %shift_left3A_410 : i32 to vector<16xi32>
            %shift_left3A_412 = arith.shli %get3A_409, %shift_left3A_411 : vector<16xi32>
            %bitcast_convert_type3A_413 = tpu.bitcast %shift_left3A_412 : vector<16xi32> -> vector<16xf32>
            %and3A_414 = arith.andi %get3A_409, %broadcast_in_dim3A_7 : vector<16xi32>
            %bitcast_convert_type3A_415 = tpu.bitcast %and3A_414 : vector<16xi32> -> vector<16xf32>
            %get3A_416 = arith.index_cast %squeeze3A_400 : i32 to index
            %get3A_417 = arith.constant 0 : index
            %get3A_418 = tpu.vector_load %arg17[%get3A_416, %get3A_417] {strides = array<i32>} : memref<320x256xf32, #tpu.memory_space<vmem>>, vector<16xf32>,
            %mul3A_419 = vector.broadcast %squeeze3A_405 : f32 to vector<16xf32>
            %mul3A_420 = arith.mulf %bitcast_convert_type3A_413, %mul3A_419 : vector<16xf32>
            %add3A_421 = arith.addf %get3A_418, %mul3A_420 : vector<16xf32>
            %swap3A_422 = arith.index_cast %squeeze3A_400 : i32 to index
            %swap3A_423 = arith.constant 0 : index
            %swap3A_424 = tpu.vector_load %arg17[%swap3A_422, %swap3A_423] {strides = array<i32>} : memref<320x256xf32, #tpu.memory_space<vmem>>, vector<16xf32>,
            tpu.vector_store %arg17[%swap3A_422, %swap3A_423], %add3A_421 {strides = array<i32>} : memref<320x256xf32, #tpu.memory_space<vmem>>, vector<16xf32>,
            %get3A_425 = arith.index_cast %squeeze3A_400 : i32 to index
            %get3A_426 = arith.constant 128 : index
            %get3A_427 = tpu.vector_load %arg17[%get3A_425, %get3A_426] {strides = array<i32>} : memref<320x256xf32, #tpu.memory_space<vmem>>, vector<16xf32>,
            %mul3A_428 = vector.broadcast %squeeze3A_405 : f32 to vector<16xf32>
            %mul3A_429 = arith.mulf %bitcast_convert_type3A_415, %mul3A_428 : vector<16xf32>
            %add3A_430 = arith.addf %get3A_427, %mul3A_429 : vector<16xf32>
            %swap3A_431 = arith.index_cast %squeeze3A_400 : i32 to index
            %swap3A_432 = arith.constant 128 : index
            %swap3A_433 = tpu.vector_load %arg17[%swap3A_431, %swap3A_432] {strides = array<i32>} : memref<320x256xf32, #tpu.memory_space<vmem>>, vector<16xf32>,
            tpu.vector_store %arg17[%swap3A_431, %swap3A_432], %add3A_430 {strides = array<i32>} : memref<320x256xf32, #tpu.memory_space<vmem>>, vector<16xf32>,
            %get3A_434 = arith.index_cast %select_n3A_157 : i32 to index
            %get3A_435 = arith.index_cast %scan3A_395 : i32 to index
            %get3A_436 = arith.constant 16 : index
            %get3A_437 = tpu.vector_load %arg16[%get3A_434, %get3A_435, %get3A_436] {strides = array<i32>} : memref<4x16x128xi32, #tpu.memory_space<vmem>>, vector<16xi32>,
            %shift_left3A_438 = arith.constant 16 : i32
            %shift_left3A_439 = vector.broadcast %shift_left3A_438 : i32 to vector<16xi32>
            %shift_left3A_440 = arith.shli %get3A_437, %shift_left3A_439 : vector<16xi32>
            %bitcast_convert_type3A_441 = tpu.bitcast %shift_left3A_440 : vector<16xi32> -> vector<16xf32>
            %and3A_442 = arith.andi %get3A_437, %broadcast_in_dim3A_7 : vector<16xi32>
            %bitcast_convert_type3A_443 = tpu.bitcast %and3A_442 : vector<16xi32> -> vector<16xf32>
            %get3A_444 = arith.index_cast %squeeze3A_400 : i32 to index
            %get3A_445 = arith.constant 16 : index
            %get3A_446 = tpu.vector_load %arg17[%get3A_444, %get3A_445] {strides = array<i32>} : memref<320x256xf32, #tpu.memory_space<vmem>>, vector<16xf32>,
            %mul3A_447 = vector.broadcast %squeeze3A_405 : f32 to vector<16xf32>
            %mul3A_448 = arith.mulf %bitcast_convert_type3A_441, %mul3A_447 : vector<16xf32>
            %add3A_449 = arith.addf %get3A_446, %mul3A_448 : vector<16xf32>
            %swap3A_450 = arith.index_cast %squeeze3A_400 : i32 to index
            %swap3A_451 = arith.constant 16 : index
            %swap3A_452 = tpu.vector_load %arg17[%swap3A_450, %swap3A_451] {strides = array<i32>} : memref<320x256xf32, #tpu.memory_space<vmem>>, vector<16xf32>,
            tpu.vector_store %arg17[%swap3A_450, %swap3A_451], %add3A_449 {strides = array<i32>} : memref<320x256xf32, #tpu.memory_space<vmem>>, vector<16xf32>,
            %get3A_453 = arith.index_cast %squeeze3A_400 : i32 to index
            %get3A_454 = arith.constant 144 : index
            %get3A_455 = tpu.vector_load %arg17[%get3A_453, %get3A_454] {strides = array<i32>} : memref<320x256xf32, #tpu.memory_space<vmem>>, vector<16xf32>,
            %mul3A_456 = vector.broadcast %squeeze3A_405 : f32 to vector<16xf32>
            %mul3A_457 = arith.mulf %bitcast_convert_type3A_443, %mul3A_456 : vector<16xf32>
            %add3A_458 = arith.addf %get3A_455, %mul3A_457 : vector<16xf32>
            %swap3A_459 = arith.index_cast %squeeze3A_400 : i32 to index
            %swap3A_460 = arith.constant 144 : index
            %swap3A_461 = tpu.vector_load %arg17[%swap3A_459, %swap3A_460] {strides = array<i32>} : memref<320x256xf32, #tpu.memory_space<vmem>>, vector<16xf32>,
            tpu.vector_store %arg17[%swap3A_459, %swap3A_460], %add3A_458 {strides = array<i32>} : memref<320x256xf32, #tpu.memory_space<vmem>>, vector<16xf32>,
            %get3A_462 = arith.index_cast %select_n3A_157 : i32 to index
            %get3A_463 = arith.index_cast %scan3A_395 : i32 to index
            %get3A_464 = arith.constant 32 : index
            %get3A_465 = tpu.vector_load %arg16[%get3A_462, %get3A_463, %get3A_464] {strides = array<i32>} : memref<4x16x128xi32, #tpu.memory_space<vmem>>, vector<16xi32>,
            %shift_left3A_466 = arith.constant 16 : i32
            %shift_left3A_467 = vector.broadcast %shift_left3A_466 : i32 to vector<16xi32>
            %shift_left3A_468 = arith.shli %get3A_465, %shift_left3A_467 : vector<16xi32>
            %bitcast_convert_type3A_469 = tpu.bitcast %shift_left3A_468 : vector<16xi32> -> vector<16xf32>
            %and3A_470 = arith.andi %get3A_465, %broadcast_in_dim3A_7 : vector<16xi32>
            %bitcast_convert_type3A_471 = tpu.bitcast %and3A_470 : vector<16xi32> -> vector<16xf32>
            %get3A_472 = arith.index_cast %squeeze3A_400 : i32 to index
            %get3A_473 = arith.constant 32 : index
            %get3A_474 = tpu.vector_load %arg17[%get3A_472, %get3A_473] {strides = array<i32>} : memref<320x256xf32, #tpu.memory_space<vmem>>, vector<16xf32>,
            %mul3A_475 = vector.broadcast %squeeze3A_405 : f32 to vector<16xf32>
            %mul3A_476 = arith.mulf %bitcast_convert_type3A_469, %mul3A_475 : vector<16xf32>
            %add3A_477 = arith.addf %get3A_474, %mul3A_476 : vector<16xf32>
            %swap3A_478 = arith.index_cast %squeeze3A_400 : i32 to index
            %swap3A_479 = arith.constant 32 : index
            %swap3A_480 = tpu.vector_load %arg17[%swap3A_478, %swap3A_479] {strides = array<i32>} : memref<320x256xf32, #tpu.memory_space<vmem>>, vector<16xf32>,
            tpu.vector_store %arg17[%swap3A_478, %swap3A_479], %add3A_477 {strides = array<i32>} : memref<320x256xf32, #tpu.memory_space<vmem>>, vector<16xf32>,
            %get3A_481 = arith.index_cast %squeeze3A_400 : i32 to index
            %get3A_482 = arith.constant 160 : index
            %get3A_483 = tpu.vector_load %arg17[%get3A_481, %get3A_482] {strides = array<i32>} : memref<320x256xf32, #tpu.memory_space<vmem>>, vector<16xf32>,
            %mul3A_484 = vector.broadcast %squeeze3A_405 : f32 to vector<16xf32>
            %mul3A_485 = arith.mulf %bitcast_convert_type3A_471, %mul3A_484 : vector<16xf32>
            %add3A_486 = arith.addf %get3A_483, %mul3A_485 : vector<16xf32>
            %swap3A_487 = arith.index_cast %squeeze3A_400 : i32 to index
            %swap3A_488 = arith.constant 160 : index
            %swap3A_489 = tpu.vector_load %arg17[%swap3A_487, %swap3A_488] {strides = array<i32>} : memref<320x256xf32, #tpu.memory_space<vmem>>, vector<16xf32>,
            tpu.vector_store %arg17[%swap3A_487, %swap3A_488], %add3A_486 {strides = array<i32>} : memref<320x256xf32, #tpu.memory_space<vmem>>, vector<16xf32>,
            %get3A_490 = arith.index_cast %select_n3A_157 : i32 to index
            %get3A_491 = arith.index_cast %scan3A_395 : i32 to index
            %get3A_492 = arith.constant 48 : index
            %get3A_493 = tpu.vector_load %arg16[%get3A_490, %get3A_491, %get3A_492] {strides = array<i32>} : memref<4x16x128xi32, #tpu.memory_space<vmem>>, vector<16xi32>,
            %shift_left3A_494 = arith.constant 16 : i32
            %shift_left3A_495 = vector.broadcast %shift_left3A_494 : i32 to vector<16xi32>
            %shift_left3A_496 = arith.shli %get3A_493, %shift_left3A_495 : vector<16xi32>
            %bitcast_convert_type3A_497 = tpu.bitcast %shift_left3A_496 : vector<16xi32> -> vector<16xf32>
            %and3A_498 = arith.andi %get3A_493, %broadcast_in_dim3A_7 : vector<16xi32>
            %bitcast_convert_type3A_499 = tpu.bitcast %and3A_498 : vector<16xi32> -> vector<16xf32>
            %get3A_500 = arith.index_cast %squeeze3A_400 : i32 to index
            %get3A_501 = arith.constant 48 : index
            %get3A_502 = tpu.vector_load %arg17[%get3A_500, %get3A_501] {strides = array<i32>} : memref<320x256xf32, #tpu.memory_space<vmem>>, vector<16xf32>,
            %mul3A_503 = vector.broadcast %squeeze3A_405 : f32 to vector<16xf32>
            %mul3A_504 = arith.mulf %bitcast_convert_type3A_497, %mul3A_503 : vector<16xf32>
            %add3A_505 = arith.addf %get3A_502, %mul3A_504 : vector<16xf32>
            %swap3A_506 = arith.index_cast %squeeze3A_400 : i32 to index
            %swap3A_507 = arith.constant 48 : index
            %swap3A_508 = tpu.vector_load %arg17[%swap3A_506, %swap3A_507] {strides = array<i32>} : memref<320x256xf32, #tpu.memory_space<vmem>>, vector<16xf32>,
            tpu.vector_store %arg17[%swap3A_506, %swap3A_507], %add3A_505 {strides = array<i32>} : memref<320x256xf32, #tpu.memory_space<vmem>>, vector<16xf32>,
            %get3A_509 = arith.index_cast %squeeze3A_400 : i32 to index
            %get3A_510 = arith.constant 176 : index
            %get3A_511 = tpu.vector_load %arg17[%get3A_509, %get3A_510] {strides = array<i32>} : memref<320x256xf32, #tpu.memory_space<vmem>>, vector<16xf32>,
            %mul3A_512 = vector.broadcast %squeeze3A_405 : f32 to vector<16xf32>
            %mul3A_513 = arith.mulf %bitcast_convert_type3A_499, %mul3A_512 : vector<16xf32>
            %add3A_514 = arith.addf %get3A_511, %mul3A_513 : vector<16xf32>
            %swap3A_515 = arith.index_cast %squeeze3A_400 : i32 to index
            %swap3A_516 = arith.constant 176 : index
            %swap3A_517 = tpu.vector_load %arg17[%swap3A_515, %swap3A_516] {strides = array<i32>} : memref<320x256xf32, #tpu.memory_space<vmem>>, vector<16xf32>,
            tpu.vector_store %arg17[%swap3A_515, %swap3A_516], %add3A_514 {strides = array<i32>} : memref<320x256xf32, #tpu.memory_space<vmem>>, vector<16xf32>,
            %get3A_518 = arith.index_cast %select_n3A_157 : i32 to index
            %get3A_519 = arith.index_cast %scan3A_395 : i32 to index
            %get3A_520 = arith.constant 64 : index
            %get3A_521 = tpu.vector_load %arg16[%get3A_518, %get3A_519, %get3A_520] {strides = array<i32>} : memref<4x16x128xi32, #tpu.memory_space<vmem>>, vector<16xi32>,
            %shift_left3A_522 = arith.constant 16 : i32
            %shift_left3A_523 = vector.broadcast %shift_left3A_522 : i32 to vector<16xi32>
            %shift_left3A_524 = arith.shli %get3A_521, %shift_left3A_523 : vector<16xi32>
            %bitcast_convert_type3A_525 = tpu.bitcast %shift_left3A_524 : vector<16xi32> -> vector<16xf32>
            %and3A_526 = arith.andi %get3A_521, %broadcast_in_dim3A_7 : vector<16xi32>
            %bitcast_convert_type3A_527 = tpu.bitcast %and3A_526 : vector<16xi32> -> vector<16xf32>
            %get3A_528 = arith.index_cast %squeeze3A_400 : i32 to index
            %get3A_529 = arith.constant 64 : index
            %get3A_530 = tpu.vector_load %arg17[%get3A_528, %get3A_529] {strides = array<i32>} : memref<320x256xf32, #tpu.memory_space<vmem>>, vector<16xf32>,
            %mul3A_531 = vector.broadcast %squeeze3A_405 : f32 to vector<16xf32>
            %mul3A_532 = arith.mulf %bitcast_convert_type3A_525, %mul3A_531 : vector<16xf32>
            %add3A_533 = arith.addf %get3A_530, %mul3A_532 : vector<16xf32>
            %swap3A_534 = arith.index_cast %squeeze3A_400 : i32 to index
            %swap3A_535 = arith.constant 64 : index
            %swap3A_536 = tpu.vector_load %arg17[%swap3A_534, %swap3A_535] {strides = array<i32>} : memref<320x256xf32, #tpu.memory_space<vmem>>, vector<16xf32>,
            tpu.vector_store %arg17[%swap3A_534, %swap3A_535], %add3A_533 {strides = array<i32>} : memref<320x256xf32, #tpu.memory_space<vmem>>, vector<16xf32>,
            %get3A_537 = arith.index_cast %squeeze3A_400 : i32 to index
            %get3A_538 = arith.constant 192 : index
            %get3A_539 = tpu.vector_load %arg17[%get3A_537, %get3A_538] {strides = array<i32>} : memref<320x256xf32, #tpu.memory_space<vmem>>, vector<16xf32>,
            %mul3A_540 = vector.broadcast %squeeze3A_405 : f32 to vector<16xf32>
            %mul3A_541 = arith.mulf %bitcast_convert_type3A_527, %mul3A_540 : vector<16xf32>
            %add3A_542 = arith.addf %get3A_539, %mul3A_541 : vector<16xf32>
            %swap3A_543 = arith.index_cast %squeeze3A_400 : i32 to index
            %swap3A_544 = arith.constant 192 : index
            %swap3A_545 = tpu.vector_load %arg17[%swap3A_543, %swap3A_544] {strides = array<i32>} : memref<320x256xf32, #tpu.memory_space<vmem>>, vector<16xf32>,
            tpu.vector_store %arg17[%swap3A_543, %swap3A_544], %add3A_542 {strides = array<i32>} : memref<320x256xf32, #tpu.memory_space<vmem>>, vector<16xf32>,
            %get3A_546 = arith.index_cast %select_n3A_157 : i32 to index
            %get3A_547 = arith.index_cast %scan3A_395 : i32 to index
            %get3A_548 = arith.constant 80 : index
            %get3A_549 = tpu.vector_load %arg16[%get3A_546, %get3A_547, %get3A_548] {strides = array<i32>} : memref<4x16x128xi32, #tpu.memory_space<vmem>>, vector<16xi32>,
            %shift_left3A_550 = arith.constant 16 : i32
            %shift_left3A_551 = vector.broadcast %shift_left3A_550 : i32 to vector<16xi32>
            %shift_left3A_552 = arith.shli %get3A_549, %shift_left3A_551 : vector<16xi32>
            %bitcast_convert_type3A_553 = tpu.bitcast %shift_left3A_552 : vector<16xi32> -> vector<16xf32>
            %and3A_554 = arith.andi %get3A_549, %broadcast_in_dim3A_7 : vector<16xi32>
            %bitcast_convert_type3A_555 = tpu.bitcast %and3A_554 : vector<16xi32> -> vector<16xf32>
            %get3A_556 = arith.index_cast %squeeze3A_400 : i32 to index
            %get3A_557 = arith.constant 80 : index
            %get3A_558 = tpu.vector_load %arg17[%get3A_556, %get3A_557] {strides = array<i32>} : memref<320x256xf32, #tpu.memory_space<vmem>>, vector<16xf32>,
            %mul3A_559 = vector.broadcast %squeeze3A_405 : f32 to vector<16xf32>
            %mul3A_560 = arith.mulf %bitcast_convert_type3A_553, %mul3A_559 : vector<16xf32>
            %add3A_561 = arith.addf %get3A_558, %mul3A_560 : vector<16xf32>
            %swap3A_562 = arith.index_cast %squeeze3A_400 : i32 to index
            %swap3A_563 = arith.constant 80 : index
            %swap3A_564 = tpu.vector_load %arg17[%swap3A_562, %swap3A_563] {strides = array<i32>} : memref<320x256xf32, #tpu.memory_space<vmem>>, vector<16xf32>,
            tpu.vector_store %arg17[%swap3A_562, %swap3A_563], %add3A_561 {strides = array<i32>} : memref<320x256xf32, #tpu.memory_space<vmem>>, vector<16xf32>,
            %get3A_565 = arith.index_cast %squeeze3A_400 : i32 to index
            %get3A_566 = arith.constant 208 : index
            %get3A_567 = tpu.vector_load %arg17[%get3A_565, %get3A_566] {strides = array<i32>} : memref<320x256xf32, #tpu.memory_space<vmem>>, vector<16xf32>,
            %mul3A_568 = vector.broadcast %squeeze3A_405 : f32 to vector<16xf32>
            %mul3A_569 = arith.mulf %bitcast_convert_type3A_555, %mul3A_568 : vector<16xf32>
            %add3A_570 = arith.addf %get3A_567, %mul3A_569 : vector<16xf32>
            %swap3A_571 = arith.index_cast %squeeze3A_400 : i32 to index
            %swap3A_572 = arith.constant 208 : index
            %swap3A_573 = tpu.vector_load %arg17[%swap3A_571, %swap3A_572] {strides = array<i32>} : memref<320x256xf32, #tpu.memory_space<vmem>>, vector<16xf32>,
            tpu.vector_store %arg17[%swap3A_571, %swap3A_572], %add3A_570 {strides = array<i32>} : memref<320x256xf32, #tpu.memory_space<vmem>>, vector<16xf32>,
            %get3A_574 = arith.index_cast %select_n3A_157 : i32 to index
            %get3A_575 = arith.index_cast %scan3A_395 : i32 to index
            %get3A_576 = arith.constant 96 : index
            %get3A_577 = tpu.vector_load %arg16[%get3A_574, %get3A_575, %get3A_576] {strides = array<i32>} : memref<4x16x128xi32, #tpu.memory_space<vmem>>, vector<16xi32>,
            %shift_left3A_578 = arith.constant 16 : i32
            %shift_left3A_579 = vector.broadcast %shift_left3A_578 : i32 to vector<16xi32>
            %shift_left3A_580 = arith.shli %get3A_577, %shift_left3A_579 : vector<16xi32>
            %bitcast_convert_type3A_581 = tpu.bitcast %shift_left3A_580 : vector<16xi32> -> vector<16xf32>
            %and3A_582 = arith.andi %get3A_577, %broadcast_in_dim3A_7 : vector<16xi32>
            %bitcast_convert_type3A_583 = tpu.bitcast %and3A_582 : vector<16xi32> -> vector<16xf32>
            %get3A_584 = arith.index_cast %squeeze3A_400 : i32 to index
            %get3A_585 = arith.constant 96 : index
            %get3A_586 = tpu.vector_load %arg17[%get3A_584, %get3A_585] {strides = array<i32>} : memref<320x256xf32, #tpu.memory_space<vmem>>, vector<16xf32>,
            %mul3A_587 = vector.broadcast %squeeze3A_405 : f32 to vector<16xf32>
            %mul3A_588 = arith.mulf %bitcast_convert_type3A_581, %mul3A_587 : vector<16xf32>
            %add3A_589 = arith.addf %get3A_586, %mul3A_588 : vector<16xf32>
            %swap3A_590 = arith.index_cast %squeeze3A_400 : i32 to index
            %swap3A_591 = arith.constant 96 : index
            %swap3A_592 = tpu.vector_load %arg17[%swap3A_590, %swap3A_591] {strides = array<i32>} : memref<320x256xf32, #tpu.memory_space<vmem>>, vector<16xf32>,
            tpu.vector_store %arg17[%swap3A_590, %swap3A_591], %add3A_589 {strides = array<i32>} : memref<320x256xf32, #tpu.memory_space<vmem>>, vector<16xf32>,
            %get3A_593 = arith.index_cast %squeeze3A_400 : i32 to index
            %get3A_594 = arith.constant 224 : index
            %get3A_595 = tpu.vector_load %arg17[%get3A_593, %get3A_594] {strides = array<i32>} : memref<320x256xf32, #tpu.memory_space<vmem>>, vector<16xf32>,
            %mul3A_596 = vector.broadcast %squeeze3A_405 : f32 to vector<16xf32>
            %mul3A_597 = arith.mulf %bitcast_convert_type3A_583, %mul3A_596 : vector<16xf32>
            %add3A_598 = arith.addf %get3A_595, %mul3A_597 : vector<16xf32>
            %swap3A_599 = arith.index_cast %squeeze3A_400 : i32 to index
            %swap3A_600 = arith.constant 224 : index
            %swap3A_601 = tpu.vector_load %arg17[%swap3A_599, %swap3A_600] {strides = array<i32>} : memref<320x256xf32, #tpu.memory_space<vmem>>, vector<16xf32>,
            tpu.vector_store %arg17[%swap3A_599, %swap3A_600], %add3A_598 {strides = array<i32>} : memref<320x256xf32, #tpu.memory_space<vmem>>, vector<16xf32>,
            %get3A_602 = arith.index_cast %select_n3A_157 : i32 to index
            %get3A_603 = arith.index_cast %scan3A_395 : i32 to index
            %get3A_604 = arith.constant 112 : index
            %get3A_605 = tpu.vector_load %arg16[%get3A_602, %get3A_603, %get3A_604] {strides = array<i32>} : memref<4x16x128xi32, #tpu.memory_space<vmem>>, vector<16xi32>,
            %shift_left3A_606 = arith.constant 16 : i32
            %shift_left3A_607 = vector.broadcast %shift_left3A_606 : i32 to vector<16xi32>
            %shift_left3A_608 = arith.shli %get3A_605, %shift_left3A_607 : vector<16xi32>
            %bitcast_convert_type3A_609 = tpu.bitcast %shift_left3A_608 : vector<16xi32> -> vector<16xf32>
            %and3A_610 = arith.andi %get3A_605, %broadcast_in_dim3A_7 : vector<16xi32>
            %bitcast_convert_type3A_611 = tpu.bitcast %and3A_610 : vector<16xi32> -> vector<16xf32>
            %get3A_612 = arith.index_cast %squeeze3A_400 : i32 to index
            %get3A_613 = arith.constant 112 : index
            %get3A_614 = tpu.vector_load %arg17[%get3A_612, %get3A_613] {strides = array<i32>} : memref<320x256xf32, #tpu.memory_space<vmem>>, vector<16xf32>,
            %mul3A_615 = vector.broadcast %squeeze3A_405 : f32 to vector<16xf32>
            %mul3A_616 = arith.mulf %bitcast_convert_type3A_609, %mul3A_615 : vector<16xf32>
            %add3A_617 = arith.addf %get3A_614, %mul3A_616 : vector<16xf32>
            %swap3A_618 = arith.index_cast %squeeze3A_400 : i32 to index
            %swap3A_619 = arith.constant 112 : index
            %swap3A_620 = tpu.vector_load %arg17[%swap3A_618, %swap3A_619] {strides = array<i32>} : memref<320x256xf32, #tpu.memory_space<vmem>>, vector<16xf32>,
            tpu.vector_store %arg17[%swap3A_618, %swap3A_619], %add3A_617 {strides = array<i32>} : memref<320x256xf32, #tpu.memory_space<vmem>>, vector<16xf32>,
            %get3A_621 = arith.index_cast %squeeze3A_400 : i32 to index
            %get3A_622 = arith.constant 240 : index
            %get3A_623 = tpu.vector_load %arg17[%get3A_621, %get3A_622] {strides = array<i32>} : memref<320x256xf32, #tpu.memory_space<vmem>>, vector<16xf32>,
            %mul3A_624 = vector.broadcast %squeeze3A_405 : f32 to vector<16xf32>
            %mul3A_625 = arith.mulf %bitcast_convert_type3A_611, %mul3A_624 : vector<16xf32>
            %add3A_626 = arith.addf %get3A_623, %mul3A_625 : vector<16xf32>
            %swap3A_627 = arith.index_cast %squeeze3A_400 : i32 to index
            %swap3A_628 = arith.constant 240 : index
            %swap3A_629 = tpu.vector_load %arg17[%swap3A_627, %swap3A_628] {strides = array<i32>} : memref<320x256xf32, #tpu.memory_space<vmem>>, vector<16xf32>,
            tpu.vector_store %arg17[%swap3A_627, %swap3A_628], %add3A_626 {strides = array<i32>} : memref<320x256xf32, #tpu.memory_space<vmem>>, vector<16xf32>,
          }
          %scan3A_163 = arith.constant 16 : i32
        } else {
        }
        %lt3A = arith.cmpi slt, %while3A_120, %max3A_108 : i32
        %convert_element_type3A_123 = arith.extui %lt3A : i1 to i32
        %cond3A_124 = arith.constant 0 : i32
        %cond3A_125 = arith.cmpi ne, %convert_element_type3A_123, %cond3A_124 : i32
        scf.if %cond3A_125 {
          %jit3A_126 = arith.constant 4 : i32
          %eq3A = arith.constant 0 : i32
          %eq3A_127 = arith.cmpi eq, %jit3A_126, %eq3A : i32
          %jit3A_128 = arith.constant 1 : i32
          %select_n3A_129 = arith.select %eq3A_127, %jit3A_128, %jit3A_126 : i32
          %rem3A_130 = arith.remsi %while3A_120, %select_n3A_129 : i32
          %ne3A_131 = arith.constant 0 : i32
          %ne3A_132 = arith.cmpi ne, %rem3A_130, %ne3A_131 : i32
          %lt3A_133 = arith.constant 0 : i32
          %lt3A_134 = arith.cmpi slt, %rem3A_130, %lt3A_133 : i32
          %lt3A_135 = arith.constant 0 : i32
          %lt3A_136 = arith.cmpi slt, %select_n3A_129, %lt3A_135 : i32
          %ne3A_137 = arith.xori %lt3A_134, %lt3A_136 : i1
          %and3A_138 = arith.andi %ne3A_137, %ne3A_132 : i1
          %add3A_139 = arith.addi %rem3A_130, %select_n3A_129 : i32
          %select_n3A_140 = arith.select %and3A_138, %add3A_139, %rem3A_130 : i32
          %mul3A_141 = arith.constant 16 : i32
          %mul3A_142 = arith.muli %while3A_120, %mul3A_141 : i32
          %add3A_143 = arith.constant 0 : i32
          %add3A_144 = arith.addi %mul3A_142, %add3A_143 : i32
          %get3A = arith.index_cast %add3A_144 : i32 to index
          %get3A_145 = tpu.vector_load %arg12[%get3A] {strides = array<i32>} : memref<1056xi32, #tpu.memory_space<vmem>>, vector<16xi32>,
          %gather3A = tpu.vector_load_idx %arg9[%get3A_145] : memref<1040xi32, #tpu.memory_space<vmem>>[vector<16xi32>], vector<16xi32>,
          %mul3A_146 = arith.constant 10240 : i32
          %mul3A_147 = vector.broadcast %mul3A_146 : i32 to vector<16xi32>
          %mul3A_148 = arith.muli %gather3A, %mul3A_147 : vector<16xi32>
          %gather3A_149 = tpu.vector_load_idx %arg8[%get3A_145] : memref<1040xi32, #tpu.memory_space<vmem>>[vector<16xi32>], vector<16xi32>,
          %add3A_150 = arith.addi %mul3A_148, %gather3A_149 : vector<16xi32>
          %swap3A_151 = arith.index_cast %select_n3A_140 : i32 to index
          %swap3A_152 = arith.constant 0 : index
          %swap3A_153 = tpu.vector_load %arg13[%swap3A_151, %swap3A_152] {strides = array<i32>} : memref<4x16xi32, #tpu.memory_space<vmem>>, vector<16xi32>,
          tpu.vector_store %arg13[%swap3A_151, %swap3A_152], %add3A_150 {strides = array<i32>} : memref<4x16xi32, #tpu.memory_space<vmem>>, vector<16xi32>,
          %gather3A_154 = tpu.vector_load_idx %arg10[%get3A_145] : memref<1040xi32, #tpu.memory_space<vmem>>[vector<16xi32>], vector<16xi32>,
          %sub3A_155 = vector.broadcast %mul3A_2 : i32 to vector<16xi32>
          %sub3A_156 = arith.subi %gather3A_154, %sub3A_155 : vector<16xi32>
          %swap3A_157 = arith.index_cast %select_n3A_140 : i32 to index
          %swap3A_158 = arith.constant 0 : index
          %swap3A_159 = tpu.vector_load %arg14[%swap3A_157, %swap3A_158] {strides = array<i32>} : memref<4x32xi32, #tpu.memory_space<vmem>>, vector<16xi32>,
          tpu.vector_store %arg14[%swap3A_157, %swap3A_158], %sub3A_156 {strides = array<i32>} : memref<4x32xi32, #tpu.memory_space<vmem>>, vector<16xi32>,
          %gather3A_160 = tpu.vector_load_idx %arg11[%get3A_145] : memref<1040xf32, #tpu.memory_space<vmem>>[vector<16xi32>], vector<16xf32>,
          %swap3A_161 = arith.index_cast %select_n3A_140 : i32 to index
          %swap3A_162 = arith.constant 0 : index
          %swap3A_163 = tpu.vector_load %arg15[%swap3A_161, %swap3A_162] {strides = array<i32>} : memref<4x32xf32, #tpu.memory_space<vmem>>, vector<16xf32>,
          tpu.vector_store %arg15[%swap3A_161, %swap3A_162], %gather3A_160 {strides = array<i32>} : memref<4x32xf32, #tpu.memory_space<vmem>>, vector<16xf32>,
          %dma_start3A_164 = arith.constant 0 : i32
          %dma_start3A_165 = arith.constant 0 : i32
          %dma_start3A_166 = tpu.memref_slice %arg16[%select_n3A_140, %dma_start3A_164, %dma_start3A_165] : memref<4x16x128xi32, #tpu.memory_space<vmem>> -> memref<1x16x128xi32, #tpu.memory_space<vmem>>
          %dma_start3A_167 = tpu.memref_squeeze %dma_start3A_166 : memref<1x16x128xi32, #tpu.memory_space<vmem>> -> memref<16x128xi32, #tpu.memory_space<vmem>>
          %dma_start3A_168 = arith.constant 0 : i32
          %dma_start3A_169 = tpu.memref_slice %arg13[%select_n3A_140, %dma_start3A_168] : memref<4x16xi32, #tpu.memory_space<vmem>> -> memref<1x16xi32, #tpu.memory_space<vmem>>
          %dma_start3A_170 = tpu.memref_squeeze %dma_start3A_169 : memref<1x16xi32, #tpu.memory_space<vmem>> -> memref<16xi32, #tpu.memory_space<vmem>>
          %dma_start3A_171 = arith.constant 0 : i32
          %dma_start3A_172 = arith.constant 0 : i32
          %dma_start3A_173 = tpu.memref_slice %arg2[%dma_start3A_171, %dma_start3A_172] : memref<81920x128xi32, #tpu.memory_space<hbm>> -> memref<81920x128xi32, #tpu.memory_space<hbm>>
          tpu.enqueue_indirect_dma source(%dma_start3A_173 : memref<81920x128xi32, #tpu.memory_space<hbm>>) target(%dma_start3A_167 : memref<16x128xi32, #tpu.memory_space<vmem>>) offsets(%dma_start3A_170 : memref<16xi32, #tpu.memory_space<vmem>>) semaphore(%arg19 : memref<!tpu.dma_semaphore, #tpu.memory_space<semaphore_mem>>)
        } else {
        }
      }
      %while3A_119 = arith.constant 1 : i32
      scf.for %while3A_120 = %while3A_117 to %while3A_113 step %while3A_119  : i32 {
        %ge3A = arith.constant 4 : i32
        %ge3A_121 = arith.cmpi sge, %while3A_120, %ge3A : i32
        %convert_element_type3A = arith.extui %ge3A_121 : i1 to i32
        %cond3A = arith.constant 0 : i32
        %cond3A_122 = arith.cmpi ne, %convert_element_type3A, %cond3A : i32
        scf.if %cond3A_122 {
          %dma_wait3A_126 = arith.constant 0 : i32
          %dma_wait3A_127 = arith.constant 0 : i32
          %dma_wait3A_128 = arith.constant 0 : i32
          %dma_wait3A_129 = tpu.memref_slice %arg16[%dma_wait3A_126, %dma_wait3A_127, %dma_wait3A_128] : memref<4x16x128xi32, #tpu.memory_space<vmem>> -> memref<1x16x128xi32, #tpu.memory_space<vmem>>
          %dma_wait3A_130 = tpu.memref_squeeze %dma_wait3A_129 : memref<1x16x128xi32, #tpu.memory_space<vmem>> -> memref<16x128xi32, #tpu.memory_space<vmem>>
          %dma_wait3A_131 = arith.constant 0 : i32
          %dma_wait3A_132 = arith.constant 0 : i32
          %dma_wait3A_133 = tpu.memref_slice %arg2[%dma_wait3A_131, %dma_wait3A_132] : memref<81920x128xi32, #tpu.memory_space<hbm>> -> memref<16x128xi32, #tpu.memory_space<hbm>>
          %dma_wait3A_134 = arith.constant 0 : i32
          %dma_wait3A_135 = arith.constant 0 : i32
          %dma_wait3A_136 = tpu.memref_slice %arg16[%dma_wait3A_126, %dma_wait3A_134, %dma_wait3A_135] : memref<4x16x128xi32, #tpu.memory_space<vmem>> -> memref<1x16x128xi32, #tpu.memory_space<vmem>>
          %dma_wait3A_137 = tpu.memref_squeeze %dma_wait3A_136 : memref<1x16x128xi32, #tpu.memory_space<vmem>> -> memref<16x128xi32, #tpu.memory_space<vmem>>
          %dma_wait3A_138 = arith.constant 0 : i32
          %dma_wait3A_139 = arith.constant 0 : i32
          %dma_wait3A_140 = tpu.memref_slice %arg2[%dma_wait3A_138, %dma_wait3A_139] : memref<81920x128xi32, #tpu.memory_space<hbm>> -> memref<16x128xi32, #tpu.memory_space<hbm>>
          tpu.wait_dma2 semaphore(%arg19 : memref<!tpu.dma_semaphore, #tpu.memory_space<semaphore_mem>>) src(%dma_wait3A_140 : memref<16x128xi32, #tpu.memory_space<hbm>>) dst(%dma_wait3A_137 : memref<16x128xi32, #tpu.memory_space<vmem>>)
          %sub3A_141 = arith.constant 4 : i32
          %sub3A_142 = arith.subi %while3A_120, %sub3A_141 : i32
          %jit3A_143 = arith.constant 4 : i32
          %eq3A = arith.constant 0 : i32
          %eq3A_144 = arith.cmpi eq, %jit3A_143, %eq3A : i32
          %jit3A_145 = arith.constant 1 : i32
          %select_n3A_146 = arith.select %eq3A_144, %jit3A_145, %jit3A_143 : i32
          %rem3A_147 = arith.remsi %sub3A_142, %select_n3A_146 : i32
          %ne3A_148 = arith.constant 0 : i32
          %ne3A_149 = arith.cmpi ne, %rem3A_147, %ne3A_148 : i32
          %lt3A_150 = arith.constant 0 : i32
          %lt3A_151 = arith.cmpi slt, %rem3A_147, %lt3A_150 : i32
          %lt3A_152 = arith.constant 0 : i32
          %lt3A_153 = arith.cmpi slt, %select_n3A_146, %lt3A_152 : i32
          %ne3A_154 = arith.xori %lt3A_151, %lt3A_153 : i1
          %and3A_155 = arith.andi %ne3A_154, %ne3A_149 : i1
          %add3A_156 = arith.addi %rem3A_147, %select_n3A_146 : i32
          %select_n3A_157 = arith.select %and3A_155, %add3A_156, %rem3A_147 : i32
          %scan3A_158 = arith.constant 0 : i32
          %scan3A_159 = arith.constant 0 : i32
          %scan3A_160 = arith.constant 16 : i32
          %scan3A_161 = arith.addi %scan3A_159, %scan3A_160 : i32
          %scan3A_162 = arith.constant 2 : i32
          scf.for %scan3A_164 = %scan3A_159 to %scan3A_161 step %scan3A_162  : i32 {
            %get3A = arith.index_cast %select_n3A_157 : i32 to index
            %get3A_165 = arith.index_cast %scan3A_164 : i32 to index
            %get3A_166 = tpu.vector_load %arg14[%get3A, %get3A_165] {strides = array<i32>} : memref<4x32xi32, #tpu.memory_space<vmem>>, vector<16xi32>,
            %slice3A = vector.extract_strided_slice %get3A_166 {offsets = [0], sizes = [1], strides = [1]} : vector<16xi32> to vector<1xi32>
            %squeeze3A = vector.extract %slice3A[0] : i32 from vector<1xi32>
            %get3A_167 = arith.index_cast %select_n3A_157 : i32 to index
            %get3A_168 = arith.index_cast %scan3A_164 : i32 to index
            %get3A_169 = tpu.vector_load %arg15[%get3A_167, %get3A_168] {strides = array<i32>} : memref<4x32xf32, #tpu.memory_space<vmem>>, vector<16xf32>,
            %slice3A_170 = vector.extract_strided_slice %get3A_169 {offsets = [0], sizes = [1], strides = [1]} : vector<16xf32> to vector<1xf32>
            %squeeze3A_171 = vector.extract %slice3A_170[0] : f32 from vector<1xf32>
            %get3A_172 = arith.index_cast %select_n3A_157 : i32 to index
            %get3A_173 = arith.index_cast %scan3A_164 : i32 to index
            %get3A_174 = arith.constant 0 : index
            %get3A_175 = tpu.vector_load %arg16[%get3A_172, %get3A_173, %get3A_174] {strides = array<i32>} : memref<4x16x128xi32, #tpu.memory_space<vmem>>, vector<16xi32>,
            %shift_left3A = arith.constant 16 : i32
            %shift_left3A_176 = vector.broadcast %shift_left3A : i32 to vector<16xi32>
            %shift_left3A_177 = arith.shli %get3A_175, %shift_left3A_176 : vector<16xi32>
            %bitcast_convert_type3A = tpu.bitcast %shift_left3A_177 : vector<16xi32> -> vector<16xf32>
            %and3A_178 = arith.andi %get3A_175, %broadcast_in_dim3A_7 : vector<16xi32>
            %bitcast_convert_type3A_179 = tpu.bitcast %and3A_178 : vector<16xi32> -> vector<16xf32>
            %get3A_180 = arith.index_cast %squeeze3A : i32 to index
            %get3A_181 = arith.constant 0 : index
            %get3A_182 = tpu.vector_load %arg17[%get3A_180, %get3A_181] {strides = array<i32>} : memref<320x256xf32, #tpu.memory_space<vmem>>, vector<16xf32>,
            %mul3A_183 = vector.broadcast %squeeze3A_171 : f32 to vector<16xf32>
            %mul3A_184 = arith.mulf %bitcast_convert_type3A, %mul3A_183 : vector<16xf32>
            %add3A_185 = arith.addf %get3A_182, %mul3A_184 : vector<16xf32>
            %swap3A_186 = arith.index_cast %squeeze3A : i32 to index
            %swap3A_187 = arith.constant 0 : index
            %swap3A_188 = tpu.vector_load %arg17[%swap3A_186, %swap3A_187] {strides = array<i32>} : memref<320x256xf32, #tpu.memory_space<vmem>>, vector<16xf32>,
            tpu.vector_store %arg17[%swap3A_186, %swap3A_187], %add3A_185 {strides = array<i32>} : memref<320x256xf32, #tpu.memory_space<vmem>>, vector<16xf32>,
            %get3A_189 = arith.index_cast %squeeze3A : i32 to index
            %get3A_190 = arith.constant 128 : index
            %get3A_191 = tpu.vector_load %arg17[%get3A_189, %get3A_190] {strides = array<i32>} : memref<320x256xf32, #tpu.memory_space<vmem>>, vector<16xf32>,
            %mul3A_192 = vector.broadcast %squeeze3A_171 : f32 to vector<16xf32>
            %mul3A_193 = arith.mulf %bitcast_convert_type3A_179, %mul3A_192 : vector<16xf32>
            %add3A_194 = arith.addf %get3A_191, %mul3A_193 : vector<16xf32>
            %swap3A_195 = arith.index_cast %squeeze3A : i32 to index
            %swap3A_196 = arith.constant 128 : index
            %swap3A_197 = tpu.vector_load %arg17[%swap3A_195, %swap3A_196] {strides = array<i32>} : memref<320x256xf32, #tpu.memory_space<vmem>>, vector<16xf32>,
            tpu.vector_store %arg17[%swap3A_195, %swap3A_196], %add3A_194 {strides = array<i32>} : memref<320x256xf32, #tpu.memory_space<vmem>>, vector<16xf32>,
            %get3A_198 = arith.index_cast %select_n3A_157 : i32 to index
            %get3A_199 = arith.index_cast %scan3A_164 : i32 to index
            %get3A_200 = arith.constant 16 : index
            %get3A_201 = tpu.vector_load %arg16[%get3A_198, %get3A_199, %get3A_200] {strides = array<i32>} : memref<4x16x128xi32, #tpu.memory_space<vmem>>, vector<16xi32>,
            %shift_left3A_202 = arith.constant 16 : i32
            %shift_left3A_203 = vector.broadcast %shift_left3A_202 : i32 to vector<16xi32>
            %shift_left3A_204 = arith.shli %get3A_201, %shift_left3A_203 : vector<16xi32>
            %bitcast_convert_type3A_205 = tpu.bitcast %shift_left3A_204 : vector<16xi32> -> vector<16xf32>
            %and3A_206 = arith.andi %get3A_201, %broadcast_in_dim3A_7 : vector<16xi32>
            %bitcast_convert_type3A_207 = tpu.bitcast %and3A_206 : vector<16xi32> -> vector<16xf32>
            %get3A_208 = arith.index_cast %squeeze3A : i32 to index
            %get3A_209 = arith.constant 16 : index
            %get3A_210 = tpu.vector_load %arg17[%get3A_208, %get3A_209] {strides = array<i32>} : memref<320x256xf32, #tpu.memory_space<vmem>>, vector<16xf32>,
            %mul3A_211 = vector.broadcast %squeeze3A_171 : f32 to vector<16xf32>
            %mul3A_212 = arith.mulf %bitcast_convert_type3A_205, %mul3A_211 : vector<16xf32>
            %add3A_213 = arith.addf %get3A_210, %mul3A_212 : vector<16xf32>
            %swap3A_214 = arith.index_cast %squeeze3A : i32 to index
            %swap3A_215 = arith.constant 16 : index
            %swap3A_216 = tpu.vector_load %arg17[%swap3A_214, %swap3A_215] {strides = array<i32>} : memref<320x256xf32, #tpu.memory_space<vmem>>, vector<16xf32>,
            tpu.vector_store %arg17[%swap3A_214, %swap3A_215], %add3A_213 {strides = array<i32>} : memref<320x256xf32, #tpu.memory_space<vmem>>, vector<16xf32>,
            %get3A_217 = arith.index_cast %squeeze3A : i32 to index
            %get3A_218 = arith.constant 144 : index
            %get3A_219 = tpu.vector_load %arg17[%get3A_217, %get3A_218] {strides = array<i32>} : memref<320x256xf32, #tpu.memory_space<vmem>>, vector<16xf32>,
            %mul3A_220 = vector.broadcast %squeeze3A_171 : f32 to vector<16xf32>
            %mul3A_221 = arith.mulf %bitcast_convert_type3A_207, %mul3A_220 : vector<16xf32>
            %add3A_222 = arith.addf %get3A_219, %mul3A_221 : vector<16xf32>
            %swap3A_223 = arith.index_cast %squeeze3A : i32 to index
            %swap3A_224 = arith.constant 144 : index
            %swap3A_225 = tpu.vector_load %arg17[%swap3A_223, %swap3A_224] {strides = array<i32>} : memref<320x256xf32, #tpu.memory_space<vmem>>, vector<16xf32>,
            tpu.vector_store %arg17[%swap3A_223, %swap3A_224], %add3A_222 {strides = array<i32>} : memref<320x256xf32, #tpu.memory_space<vmem>>, vector<16xf32>,
            %get3A_226 = arith.index_cast %select_n3A_157 : i32 to index
            %get3A_227 = arith.index_cast %scan3A_164 : i32 to index
            %get3A_228 = arith.constant 32 : index
            %get3A_229 = tpu.vector_load %arg16[%get3A_226, %get3A_227, %get3A_228] {strides = array<i32>} : memref<4x16x128xi32, #tpu.memory_space<vmem>>, vector<16xi32>,
            %shift_left3A_230 = arith.constant 16 : i32
            %shift_left3A_231 = vector.broadcast %shift_left3A_230 : i32 to vector<16xi32>
            %shift_left3A_232 = arith.shli %get3A_229, %shift_left3A_231 : vector<16xi32>
            %bitcast_convert_type3A_233 = tpu.bitcast %shift_left3A_232 : vector<16xi32> -> vector<16xf32>
            %and3A_234 = arith.andi %get3A_229, %broadcast_in_dim3A_7 : vector<16xi32>
            %bitcast_convert_type3A_235 = tpu.bitcast %and3A_234 : vector<16xi32> -> vector<16xf32>
            %get3A_236 = arith.index_cast %squeeze3A : i32 to index
            %get3A_237 = arith.constant 32 : index
            %get3A_238 = tpu.vector_load %arg17[%get3A_236, %get3A_237] {strides = array<i32>} : memref<320x256xf32, #tpu.memory_space<vmem>>, vector<16xf32>,
            %mul3A_239 = vector.broadcast %squeeze3A_171 : f32 to vector<16xf32>
            %mul3A_240 = arith.mulf %bitcast_convert_type3A_233, %mul3A_239 : vector<16xf32>
            %add3A_241 = arith.addf %get3A_238, %mul3A_240 : vector<16xf32>
            %swap3A_242 = arith.index_cast %squeeze3A : i32 to index
            %swap3A_243 = arith.constant 32 : index
            %swap3A_244 = tpu.vector_load %arg17[%swap3A_242, %swap3A_243] {strides = array<i32>} : memref<320x256xf32, #tpu.memory_space<vmem>>, vector<16xf32>,
            tpu.vector_store %arg17[%swap3A_242, %swap3A_243], %add3A_241 {strides = array<i32>} : memref<320x256xf32, #tpu.memory_space<vmem>>, vector<16xf32>,
            %get3A_245 = arith.index_cast %squeeze3A : i32 to index
            %get3A_246 = arith.constant 160 : index
            %get3A_247 = tpu.vector_load %arg17[%get3A_245, %get3A_246] {strides = array<i32>} : memref<320x256xf32, #tpu.memory_space<vmem>>, vector<16xf32>,
            %mul3A_248 = vector.broadcast %squeeze3A_171 : f32 to vector<16xf32>
            %mul3A_249 = arith.mulf %bitcast_convert_type3A_235, %mul3A_248 : vector<16xf32>
            %add3A_250 = arith.addf %get3A_247, %mul3A_249 : vector<16xf32>
            %swap3A_251 = arith.index_cast %squeeze3A : i32 to index
            %swap3A_252 = arith.constant 160 : index
            %swap3A_253 = tpu.vector_load %arg17[%swap3A_251, %swap3A_252] {strides = array<i32>} : memref<320x256xf32, #tpu.memory_space<vmem>>, vector<16xf32>,
            tpu.vector_store %arg17[%swap3A_251, %swap3A_252], %add3A_250 {strides = array<i32>} : memref<320x256xf32, #tpu.memory_space<vmem>>, vector<16xf32>,
            %get3A_254 = arith.index_cast %select_n3A_157 : i32 to index
            %get3A_255 = arith.index_cast %scan3A_164 : i32 to index
            %get3A_256 = arith.constant 48 : index
            %get3A_257 = tpu.vector_load %arg16[%get3A_254, %get3A_255, %get3A_256] {strides = array<i32>} : memref<4x16x128xi32, #tpu.memory_space<vmem>>, vector<16xi32>,
            %shift_left3A_258 = arith.constant 16 : i32
            %shift_left3A_259 = vector.broadcast %shift_left3A_258 : i32 to vector<16xi32>
            %shift_left3A_260 = arith.shli %get3A_257, %shift_left3A_259 : vector<16xi32>
            %bitcast_convert_type3A_261 = tpu.bitcast %shift_left3A_260 : vector<16xi32> -> vector<16xf32>
            %and3A_262 = arith.andi %get3A_257, %broadcast_in_dim3A_7 : vector<16xi32>
            %bitcast_convert_type3A_263 = tpu.bitcast %and3A_262 : vector<16xi32> -> vector<16xf32>
            %get3A_264 = arith.index_cast %squeeze3A : i32 to index
            %get3A_265 = arith.constant 48 : index
            %get3A_266 = tpu.vector_load %arg17[%get3A_264, %get3A_265] {strides = array<i32>} : memref<320x256xf32, #tpu.memory_space<vmem>>, vector<16xf32>,
            %mul3A_267 = vector.broadcast %squeeze3A_171 : f32 to vector<16xf32>
            %mul3A_268 = arith.mulf %bitcast_convert_type3A_261, %mul3A_267 : vector<16xf32>
            %add3A_269 = arith.addf %get3A_266, %mul3A_268 : vector<16xf32>
            %swap3A_270 = arith.index_cast %squeeze3A : i32 to index
            %swap3A_271 = arith.constant 48 : index
            %swap3A_272 = tpu.vector_load %arg17[%swap3A_270, %swap3A_271] {strides = array<i32>} : memref<320x256xf32, #tpu.memory_space<vmem>>, vector<16xf32>,
            tpu.vector_store %arg17[%swap3A_270, %swap3A_271], %add3A_269 {strides = array<i32>} : memref<320x256xf32, #tpu.memory_space<vmem>>, vector<16xf32>,
            %get3A_273 = arith.index_cast %squeeze3A : i32 to index
            %get3A_274 = arith.constant 176 : index
            %get3A_275 = tpu.vector_load %arg17[%get3A_273, %get3A_274] {strides = array<i32>} : memref<320x256xf32, #tpu.memory_space<vmem>>, vector<16xf32>,
            %mul3A_276 = vector.broadcast %squeeze3A_171 : f32 to vector<16xf32>
            %mul3A_277 = arith.mulf %bitcast_convert_type3A_263, %mul3A_276 : vector<16xf32>
            %add3A_278 = arith.addf %get3A_275, %mul3A_277 : vector<16xf32>
            %swap3A_279 = arith.index_cast %squeeze3A : i32 to index
            %swap3A_280 = arith.constant 176 : index
            %swap3A_281 = tpu.vector_load %arg17[%swap3A_279, %swap3A_280] {strides = array<i32>} : memref<320x256xf32, #tpu.memory_space<vmem>>, vector<16xf32>,
            tpu.vector_store %arg17[%swap3A_279, %swap3A_280], %add3A_278 {strides = array<i32>} : memref<320x256xf32, #tpu.memory_space<vmem>>, vector<16xf32>,
            %get3A_282 = arith.index_cast %select_n3A_157 : i32 to index
            %get3A_283 = arith.index_cast %scan3A_164 : i32 to index
            %get3A_284 = arith.constant 64 : index
            %get3A_285 = tpu.vector_load %arg16[%get3A_282, %get3A_283, %get3A_284] {strides = array<i32>} : memref<4x16x128xi32, #tpu.memory_space<vmem>>, vector<16xi32>,
            %shift_left3A_286 = arith.constant 16 : i32
            %shift_left3A_287 = vector.broadcast %shift_left3A_286 : i32 to vector<16xi32>
            %shift_left3A_288 = arith.shli %get3A_285, %shift_left3A_287 : vector<16xi32>
            %bitcast_convert_type3A_289 = tpu.bitcast %shift_left3A_288 : vector<16xi32> -> vector<16xf32>
            %and3A_290 = arith.andi %get3A_285, %broadcast_in_dim3A_7 : vector<16xi32>
            %bitcast_convert_type3A_291 = tpu.bitcast %and3A_290 : vector<16xi32> -> vector<16xf32>
            %get3A_292 = arith.index_cast %squeeze3A : i32 to index
            %get3A_293 = arith.constant 64 : index
            %get3A_294 = tpu.vector_load %arg17[%get3A_292, %get3A_293] {strides = array<i32>} : memref<320x256xf32, #tpu.memory_space<vmem>>, vector<16xf32>,
            %mul3A_295 = vector.broadcast %squeeze3A_171 : f32 to vector<16xf32>
            %mul3A_296 = arith.mulf %bitcast_convert_type3A_289, %mul3A_295 : vector<16xf32>
            %add3A_297 = arith.addf %get3A_294, %mul3A_296 : vector<16xf32>
            %swap3A_298 = arith.index_cast %squeeze3A : i32 to index
            %swap3A_299 = arith.constant 64 : index
            %swap3A_300 = tpu.vector_load %arg17[%swap3A_298, %swap3A_299] {strides = array<i32>} : memref<320x256xf32, #tpu.memory_space<vmem>>, vector<16xf32>,
            tpu.vector_store %arg17[%swap3A_298, %swap3A_299], %add3A_297 {strides = array<i32>} : memref<320x256xf32, #tpu.memory_space<vmem>>, vector<16xf32>,
            %get3A_301 = arith.index_cast %squeeze3A : i32 to index
            %get3A_302 = arith.constant 192 : index
            %get3A_303 = tpu.vector_load %arg17[%get3A_301, %get3A_302] {strides = array<i32>} : memref<320x256xf32, #tpu.memory_space<vmem>>, vector<16xf32>,
            %mul3A_304 = vector.broadcast %squeeze3A_171 : f32 to vector<16xf32>
            %mul3A_305 = arith.mulf %bitcast_convert_type3A_291, %mul3A_304 : vector<16xf32>
            %add3A_306 = arith.addf %get3A_303, %mul3A_305 : vector<16xf32>
            %swap3A_307 = arith.index_cast %squeeze3A : i32 to index
            %swap3A_308 = arith.constant 192 : index
            %swap3A_309 = tpu.vector_load %arg17[%swap3A_307, %swap3A_308] {strides = array<i32>} : memref<320x256xf32, #tpu.memory_space<vmem>>, vector<16xf32>,
            tpu.vector_store %arg17[%swap3A_307, %swap3A_308], %add3A_306 {strides = array<i32>} : memref<320x256xf32, #tpu.memory_space<vmem>>, vector<16xf32>,
            %get3A_310 = arith.index_cast %select_n3A_157 : i32 to index
            %get3A_311 = arith.index_cast %scan3A_164 : i32 to index
            %get3A_312 = arith.constant 80 : index
            %get3A_313 = tpu.vector_load %arg16[%get3A_310, %get3A_311, %get3A_312] {strides = array<i32>} : memref<4x16x128xi32, #tpu.memory_space<vmem>>, vector<16xi32>,
            %shift_left3A_314 = arith.constant 16 : i32
            %shift_left3A_315 = vector.broadcast %shift_left3A_314 : i32 to vector<16xi32>
            %shift_left3A_316 = arith.shli %get3A_313, %shift_left3A_315 : vector<16xi32>
            %bitcast_convert_type3A_317 = tpu.bitcast %shift_left3A_316 : vector<16xi32> -> vector<16xf32>
            %and3A_318 = arith.andi %get3A_313, %broadcast_in_dim3A_7 : vector<16xi32>
            %bitcast_convert_type3A_319 = tpu.bitcast %and3A_318 : vector<16xi32> -> vector<16xf32>
            %get3A_320 = arith.index_cast %squeeze3A : i32 to index
            %get3A_321 = arith.constant 80 : index
            %get3A_322 = tpu.vector_load %arg17[%get3A_320, %get3A_321] {strides = array<i32>} : memref<320x256xf32, #tpu.memory_space<vmem>>, vector<16xf32>,
            %mul3A_323 = vector.broadcast %squeeze3A_171 : f32 to vector<16xf32>
            %mul3A_324 = arith.mulf %bitcast_convert_type3A_317, %mul3A_323 : vector<16xf32>
            %add3A_325 = arith.addf %get3A_322, %mul3A_324 : vector<16xf32>
            %swap3A_326 = arith.index_cast %squeeze3A : i32 to index
            %swap3A_327 = arith.constant 80 : index
            %swap3A_328 = tpu.vector_load %arg17[%swap3A_326, %swap3A_327] {strides = array<i32>} : memref<320x256xf32, #tpu.memory_space<vmem>>, vector<16xf32>,
            tpu.vector_store %arg17[%swap3A_326, %swap3A_327], %add3A_325 {strides = array<i32>} : memref<320x256xf32, #tpu.memory_space<vmem>>, vector<16xf32>,
            %get3A_329 = arith.index_cast %squeeze3A : i32 to index
            %get3A_330 = arith.constant 208 : index
            %get3A_331 = tpu.vector_load %arg17[%get3A_329, %get3A_330] {strides = array<i32>} : memref<320x256xf32, #tpu.memory_space<vmem>>, vector<16xf32>,
            %mul3A_332 = vector.broadcast %squeeze3A_171 : f32 to vector<16xf32>
            %mul3A_333 = arith.mulf %bitcast_convert_type3A_319, %mul3A_332 : vector<16xf32>
            %add3A_334 = arith.addf %get3A_331, %mul3A_333 : vector<16xf32>
            %swap3A_335 = arith.index_cast %squeeze3A : i32 to index
            %swap3A_336 = arith.constant 208 : index
            %swap3A_337 = tpu.vector_load %arg17[%swap3A_335, %swap3A_336] {strides = array<i32>} : memref<320x256xf32, #tpu.memory_space<vmem>>, vector<16xf32>,
            tpu.vector_store %arg17[%swap3A_335, %swap3A_336], %add3A_334 {strides = array<i32>} : memref<320x256xf32, #tpu.memory_space<vmem>>, vector<16xf32>,
            %get3A_338 = arith.index_cast %select_n3A_157 : i32 to index
            %get3A_339 = arith.index_cast %scan3A_164 : i32 to index
            %get3A_340 = arith.constant 96 : index
            %get3A_341 = tpu.vector_load %arg16[%get3A_338, %get3A_339, %get3A_340] {strides = array<i32>} : memref<4x16x128xi32, #tpu.memory_space<vmem>>, vector<16xi32>,
            %shift_left3A_342 = arith.constant 16 : i32
            %shift_left3A_343 = vector.broadcast %shift_left3A_342 : i32 to vector<16xi32>
            %shift_left3A_344 = arith.shli %get3A_341, %shift_left3A_343 : vector<16xi32>
            %bitcast_convert_type3A_345 = tpu.bitcast %shift_left3A_344 : vector<16xi32> -> vector<16xf32>
            %and3A_346 = arith.andi %get3A_341, %broadcast_in_dim3A_7 : vector<16xi32>
            %bitcast_convert_type3A_347 = tpu.bitcast %and3A_346 : vector<16xi32> -> vector<16xf32>
            %get3A_348 = arith.index_cast %squeeze3A : i32 to index
            %get3A_349 = arith.constant 96 : index
            %get3A_350 = tpu.vector_load %arg17[%get3A_348, %get3A_349] {strides = array<i32>} : memref<320x256xf32, #tpu.memory_space<vmem>>, vector<16xf32>,
            %mul3A_351 = vector.broadcast %squeeze3A_171 : f32 to vector<16xf32>
            %mul3A_352 = arith.mulf %bitcast_convert_type3A_345, %mul3A_351 : vector<16xf32>
            %add3A_353 = arith.addf %get3A_350, %mul3A_352 : vector<16xf32>
            %swap3A_354 = arith.index_cast %squeeze3A : i32 to index
            %swap3A_355 = arith.constant 96 : index
            %swap3A_356 = tpu.vector_load %arg17[%swap3A_354, %swap3A_355] {strides = array<i32>} : memref<320x256xf32, #tpu.memory_space<vmem>>, vector<16xf32>,
            tpu.vector_store %arg17[%swap3A_354, %swap3A_355], %add3A_353 {strides = array<i32>} : memref<320x256xf32, #tpu.memory_space<vmem>>, vector<16xf32>,
            %get3A_357 = arith.index_cast %squeeze3A : i32 to index
            %get3A_358 = arith.constant 224 : index
            %get3A_359 = tpu.vector_load %arg17[%get3A_357, %get3A_358] {strides = array<i32>} : memref<320x256xf32, #tpu.memory_space<vmem>>, vector<16xf32>,
            %mul3A_360 = vector.broadcast %squeeze3A_171 : f32 to vector<16xf32>
            %mul3A_361 = arith.mulf %bitcast_convert_type3A_347, %mul3A_360 : vector<16xf32>
            %add3A_362 = arith.addf %get3A_359, %mul3A_361 : vector<16xf32>
            %swap3A_363 = arith.index_cast %squeeze3A : i32 to index
            %swap3A_364 = arith.constant 224 : index
            %swap3A_365 = tpu.vector_load %arg17[%swap3A_363, %swap3A_364] {strides = array<i32>} : memref<320x256xf32, #tpu.memory_space<vmem>>, vector<16xf32>,
            tpu.vector_store %arg17[%swap3A_363, %swap3A_364], %add3A_362 {strides = array<i32>} : memref<320x256xf32, #tpu.memory_space<vmem>>, vector<16xf32>,
            %get3A_366 = arith.index_cast %select_n3A_157 : i32 to index
            %get3A_367 = arith.index_cast %scan3A_164 : i32 to index
            %get3A_368 = arith.constant 112 : index
            %get3A_369 = tpu.vector_load %arg16[%get3A_366, %get3A_367, %get3A_368] {strides = array<i32>} : memref<4x16x128xi32, #tpu.memory_space<vmem>>, vector<16xi32>,
            %shift_left3A_370 = arith.constant 16 : i32
            %shift_left3A_371 = vector.broadcast %shift_left3A_370 : i32 to vector<16xi32>
            %shift_left3A_372 = arith.shli %get3A_369, %shift_left3A_371 : vector<16xi32>
            %bitcast_convert_type3A_373 = tpu.bitcast %shift_left3A_372 : vector<16xi32> -> vector<16xf32>
            %and3A_374 = arith.andi %get3A_369, %broadcast_in_dim3A_7 : vector<16xi32>
            %bitcast_convert_type3A_375 = tpu.bitcast %and3A_374 : vector<16xi32> -> vector<16xf32>
            %get3A_376 = arith.index_cast %squeeze3A : i32 to index
            %get3A_377 = arith.constant 112 : index
            %get3A_378 = tpu.vector_load %arg17[%get3A_376, %get3A_377] {strides = array<i32>} : memref<320x256xf32, #tpu.memory_space<vmem>>, vector<16xf32>,
            %mul3A_379 = vector.broadcast %squeeze3A_171 : f32 to vector<16xf32>
            %mul3A_380 = arith.mulf %bitcast_convert_type3A_373, %mul3A_379 : vector<16xf32>
            %add3A_381 = arith.addf %get3A_378, %mul3A_380 : vector<16xf32>
            %swap3A_382 = arith.index_cast %squeeze3A : i32 to index
            %swap3A_383 = arith.constant 112 : index
            %swap3A_384 = tpu.vector_load %arg17[%swap3A_382, %swap3A_383] {strides = array<i32>} : memref<320x256xf32, #tpu.memory_space<vmem>>, vector<16xf32>,
            tpu.vector_store %arg17[%swap3A_382, %swap3A_383], %add3A_381 {strides = array<i32>} : memref<320x256xf32, #tpu.memory_space<vmem>>, vector<16xf32>,
            %get3A_385 = arith.index_cast %squeeze3A : i32 to index
            %get3A_386 = arith.constant 240 : index
            %get3A_387 = tpu.vector_load %arg17[%get3A_385, %get3A_386] {strides = array<i32>} : memref<320x256xf32, #tpu.memory_space<vmem>>, vector<16xf32>,
            %mul3A_388 = vector.broadcast %squeeze3A_171 : f32 to vector<16xf32>
            %mul3A_389 = arith.mulf %bitcast_convert_type3A_375, %mul3A_388 : vector<16xf32>
            %add3A_390 = arith.addf %get3A_387, %mul3A_389 : vector<16xf32>
            %swap3A_391 = arith.index_cast %squeeze3A : i32 to index
            %swap3A_392 = arith.constant 240 : index
            %swap3A_393 = tpu.vector_load %arg17[%swap3A_391, %swap3A_392] {strides = array<i32>} : memref<320x256xf32, #tpu.memory_space<vmem>>, vector<16xf32>,
            tpu.vector_store %arg17[%swap3A_391, %swap3A_392], %add3A_390 {strides = array<i32>} : memref<320x256xf32, #tpu.memory_space<vmem>>, vector<16xf32>,
            %scan3A_394 = arith.constant 1 : i32
            %scan3A_395 = arith.addi %scan3A_164, %scan3A_394 : i32
            %get3A_396 = arith.index_cast %select_n3A_157 : i32 to index
            %get3A_397 = arith.index_cast %scan3A_395 : i32 to index
            %get3A_398 = tpu.vector_load %arg14[%get3A_396, %get3A_397] {strides = array<i32>} : memref<4x32xi32, #tpu.memory_space<vmem>>, vector<16xi32>,
            %slice3A_399 = vector.extract_strided_slice %get3A_398 {offsets = [0], sizes = [1], strides = [1]} : vector<16xi32> to vector<1xi32>
            %squeeze3A_400 = vector.extract %slice3A_399[0] : i32 from vector<1xi32>
            %get3A_401 = arith.index_cast %select_n3A_157 : i32 to index
            %get3A_402 = arith.index_cast %scan3A_395 : i32 to index
            %get3A_403 = tpu.vector_load %arg15[%get3A_401, %get3A_402] {strides = array<i32>} : memref<4x32xf32, #tpu.memory_space<vmem>>, vector<16xf32>,
            %slice3A_404 = vector.extract_strided_slice %get3A_403 {offsets = [0], sizes = [1], strides = [1]} : vector<16xf32> to vector<1xf32>
            %squeeze3A_405 = vector.extract %slice3A_404[0] : f32 from vector<1xf32>
            %get3A_406 = arith.index_cast %select_n3A_157 : i32 to index
            %get3A_407 = arith.index_cast %scan3A_395 : i32 to index
            %get3A_408 = arith.constant 0 : index
            %get3A_409 = tpu.vector_load %arg16[%get3A_406, %get3A_407, %get3A_408] {strides = array<i32>} : memref<4x16x128xi32, #tpu.memory_space<vmem>>, vector<16xi32>,
            %shift_left3A_410 = arith.constant 16 : i32
            %shift_left3A_411 = vector.broadcast %shift_left3A_410 : i32 to vector<16xi32>
            %shift_left3A_412 = arith.shli %get3A_409, %shift_left3A_411 : vector<16xi32>
            %bitcast_convert_type3A_413 = tpu.bitcast %shift_left3A_412 : vector<16xi32> -> vector<16xf32>
            %and3A_414 = arith.andi %get3A_409, %broadcast_in_dim3A_7 : vector<16xi32>
            %bitcast_convert_type3A_415 = tpu.bitcast %and3A_414 : vector<16xi32> -> vector<16xf32>
            %get3A_416 = arith.index_cast %squeeze3A_400 : i32 to index
            %get3A_417 = arith.constant 0 : index
            %get3A_418 = tpu.vector_load %arg17[%get3A_416, %get3A_417] {strides = array<i32>} : memref<320x256xf32, #tpu.memory_space<vmem>>, vector<16xf32>,
            %mul3A_419 = vector.broadcast %squeeze3A_405 : f32 to vector<16xf32>
            %mul3A_420 = arith.mulf %bitcast_convert_type3A_413, %mul3A_419 : vector<16xf32>
            %add3A_421 = arith.addf %get3A_418, %mul3A_420 : vector<16xf32>
            %swap3A_422 = arith.index_cast %squeeze3A_400 : i32 to index
            %swap3A_423 = arith.constant 0 : index
            %swap3A_424 = tpu.vector_load %arg17[%swap3A_422, %swap3A_423] {strides = array<i32>} : memref<320x256xf32, #tpu.memory_space<vmem>>, vector<16xf32>,
            tpu.vector_store %arg17[%swap3A_422, %swap3A_423], %add3A_421 {strides = array<i32>} : memref<320x256xf32, #tpu.memory_space<vmem>>, vector<16xf32>,
            %get3A_425 = arith.index_cast %squeeze3A_400 : i32 to index
            %get3A_426 = arith.constant 128 : index
            %get3A_427 = tpu.vector_load %arg17[%get3A_425, %get3A_426] {strides = array<i32>} : memref<320x256xf32, #tpu.memory_space<vmem>>, vector<16xf32>,
            %mul3A_428 = vector.broadcast %squeeze3A_405 : f32 to vector<16xf32>
            %mul3A_429 = arith.mulf %bitcast_convert_type3A_415, %mul3A_428 : vector<16xf32>
            %add3A_430 = arith.addf %get3A_427, %mul3A_429 : vector<16xf32>
            %swap3A_431 = arith.index_cast %squeeze3A_400 : i32 to index
            %swap3A_432 = arith.constant 128 : index
            %swap3A_433 = tpu.vector_load %arg17[%swap3A_431, %swap3A_432] {strides = array<i32>} : memref<320x256xf32, #tpu.memory_space<vmem>>, vector<16xf32>,
            tpu.vector_store %arg17[%swap3A_431, %swap3A_432], %add3A_430 {strides = array<i32>} : memref<320x256xf32, #tpu.memory_space<vmem>>, vector<16xf32>,
            %get3A_434 = arith.index_cast %select_n3A_157 : i32 to index
            %get3A_435 = arith.index_cast %scan3A_395 : i32 to index
            %get3A_436 = arith.constant 16 : index
            %get3A_437 = tpu.vector_load %arg16[%get3A_434, %get3A_435, %get3A_436] {strides = array<i32>} : memref<4x16x128xi32, #tpu.memory_space<vmem>>, vector<16xi32>,
            %shift_left3A_438 = arith.constant 16 : i32
            %shift_left3A_439 = vector.broadcast %shift_left3A_438 : i32 to vector<16xi32>
            %shift_left3A_440 = arith.shli %get3A_437, %shift_left3A_439 : vector<16xi32>
            %bitcast_convert_type3A_441 = tpu.bitcast %shift_left3A_440 : vector<16xi32> -> vector<16xf32>
            %and3A_442 = arith.andi %get3A_437, %broadcast_in_dim3A_7 : vector<16xi32>
            %bitcast_convert_type3A_443 = tpu.bitcast %and3A_442 : vector<16xi32> -> vector<16xf32>
            %get3A_444 = arith.index_cast %squeeze3A_400 : i32 to index
            %get3A_445 = arith.constant 16 : index
            %get3A_446 = tpu.vector_load %arg17[%get3A_444, %get3A_445] {strides = array<i32>} : memref<320x256xf32, #tpu.memory_space<vmem>>, vector<16xf32>,
            %mul3A_447 = vector.broadcast %squeeze3A_405 : f32 to vector<16xf32>
            %mul3A_448 = arith.mulf %bitcast_convert_type3A_441, %mul3A_447 : vector<16xf32>
            %add3A_449 = arith.addf %get3A_446, %mul3A_448 : vector<16xf32>
            %swap3A_450 = arith.index_cast %squeeze3A_400 : i32 to index
            %swap3A_451 = arith.constant 16 : index
            %swap3A_452 = tpu.vector_load %arg17[%swap3A_450, %swap3A_451] {strides = array<i32>} : memref<320x256xf32, #tpu.memory_space<vmem>>, vector<16xf32>,
            tpu.vector_store %arg17[%swap3A_450, %swap3A_451], %add3A_449 {strides = array<i32>} : memref<320x256xf32, #tpu.memory_space<vmem>>, vector<16xf32>,
            %get3A_453 = arith.index_cast %squeeze3A_400 : i32 to index
            %get3A_454 = arith.constant 144 : index
            %get3A_455 = tpu.vector_load %arg17[%get3A_453, %get3A_454] {strides = array<i32>} : memref<320x256xf32, #tpu.memory_space<vmem>>, vector<16xf32>,
            %mul3A_456 = vector.broadcast %squeeze3A_405 : f32 to vector<16xf32>
            %mul3A_457 = arith.mulf %bitcast_convert_type3A_443, %mul3A_456 : vector<16xf32>
            %add3A_458 = arith.addf %get3A_455, %mul3A_457 : vector<16xf32>
            %swap3A_459 = arith.index_cast %squeeze3A_400 : i32 to index
            %swap3A_460 = arith.constant 144 : index
            %swap3A_461 = tpu.vector_load %arg17[%swap3A_459, %swap3A_460] {strides = array<i32>} : memref<320x256xf32, #tpu.memory_space<vmem>>, vector<16xf32>,
            tpu.vector_store %arg17[%swap3A_459, %swap3A_460], %add3A_458 {strides = array<i32>} : memref<320x256xf32, #tpu.memory_space<vmem>>, vector<16xf32>,
            %get3A_462 = arith.index_cast %select_n3A_157 : i32 to index
            %get3A_463 = arith.index_cast %scan3A_395 : i32 to index
            %get3A_464 = arith.constant 32 : index
            %get3A_465 = tpu.vector_load %arg16[%get3A_462, %get3A_463, %get3A_464] {strides = array<i32>} : memref<4x16x128xi32, #tpu.memory_space<vmem>>, vector<16xi32>,
            %shift_left3A_466 = arith.constant 16 : i32
            %shift_left3A_467 = vector.broadcast %shift_left3A_466 : i32 to vector<16xi32>
            %shift_left3A_468 = arith.shli %get3A_465, %shift_left3A_467 : vector<16xi32>
            %bitcast_convert_type3A_469 = tpu.bitcast %shift_left3A_468 : vector<16xi32> -> vector<16xf32>
            %and3A_470 = arith.andi %get3A_465, %broadcast_in_dim3A_7 : vector<16xi32>
            %bitcast_convert_type3A_471 = tpu.bitcast %and3A_470 : vector<16xi32> -> vector<16xf32>
            %get3A_472 = arith.index_cast %squeeze3A_400 : i32 to index
            %get3A_473 = arith.constant 32 : index
            %get3A_474 = tpu.vector_load %arg17[%get3A_472, %get3A_473] {strides = array<i32>} : memref<320x256xf32, #tpu.memory_space<vmem>>, vector<16xf32>,
            %mul3A_475 = vector.broadcast %squeeze3A_405 : f32 to vector<16xf32>
            %mul3A_476 = arith.mulf %bitcast_convert_type3A_469, %mul3A_475 : vector<16xf32>
            %add3A_477 = arith.addf %get3A_474, %mul3A_476 : vector<16xf32>
            %swap3A_478 = arith.index_cast %squeeze3A_400 : i32 to index
            %swap3A_479 = arith.constant 32 : index
            %swap3A_480 = tpu.vector_load %arg17[%swap3A_478, %swap3A_479] {strides = array<i32>} : memref<320x256xf32, #tpu.memory_space<vmem>>, vector<16xf32>,
            tpu.vector_store %arg17[%swap3A_478, %swap3A_479], %add3A_477 {strides = array<i32>} : memref<320x256xf32, #tpu.memory_space<vmem>>, vector<16xf32>,
            %get3A_481 = arith.index_cast %squeeze3A_400 : i32 to index
            %get3A_482 = arith.constant 160 : index
            %get3A_483 = tpu.vector_load %arg17[%get3A_481, %get3A_482] {strides = array<i32>} : memref<320x256xf32, #tpu.memory_space<vmem>>, vector<16xf32>,
            %mul3A_484 = vector.broadcast %squeeze3A_405 : f32 to vector<16xf32>
            %mul3A_485 = arith.mulf %bitcast_convert_type3A_471, %mul3A_484 : vector<16xf32>
            %add3A_486 = arith.addf %get3A_483, %mul3A_485 : vector<16xf32>
            %swap3A_487 = arith.index_cast %squeeze3A_400 : i32 to index
            %swap3A_488 = arith.constant 160 : index
            %swap3A_489 = tpu.vector_load %arg17[%swap3A_487, %swap3A_488] {strides = array<i32>} : memref<320x256xf32, #tpu.memory_space<vmem>>, vector<16xf32>,
            tpu.vector_store %arg17[%swap3A_487, %swap3A_488], %add3A_486 {strides = array<i32>} : memref<320x256xf32, #tpu.memory_space<vmem>>, vector<16xf32>,
            %get3A_490 = arith.index_cast %select_n3A_157 : i32 to index
            %get3A_491 = arith.index_cast %scan3A_395 : i32 to index
            %get3A_492 = arith.constant 48 : index
            %get3A_493 = tpu.vector_load %arg16[%get3A_490, %get3A_491, %get3A_492] {strides = array<i32>} : memref<4x16x128xi32, #tpu.memory_space<vmem>>, vector<16xi32>,
            %shift_left3A_494 = arith.constant 16 : i32
            %shift_left3A_495 = vector.broadcast %shift_left3A_494 : i32 to vector<16xi32>
            %shift_left3A_496 = arith.shli %get3A_493, %shift_left3A_495 : vector<16xi32>
            %bitcast_convert_type3A_497 = tpu.bitcast %shift_left3A_496 : vector<16xi32> -> vector<16xf32>
            %and3A_498 = arith.andi %get3A_493, %broadcast_in_dim3A_7 : vector<16xi32>
            %bitcast_convert_type3A_499 = tpu.bitcast %and3A_498 : vector<16xi32> -> vector<16xf32>
            %get3A_500 = arith.index_cast %squeeze3A_400 : i32 to index
            %get3A_501 = arith.constant 48 : index
            %get3A_502 = tpu.vector_load %arg17[%get3A_500, %get3A_501] {strides = array<i32>} : memref<320x256xf32, #tpu.memory_space<vmem>>, vector<16xf32>,
            %mul3A_503 = vector.broadcast %squeeze3A_405 : f32 to vector<16xf32>
            %mul3A_504 = arith.mulf %bitcast_convert_type3A_497, %mul3A_503 : vector<16xf32>
            %add3A_505 = arith.addf %get3A_502, %mul3A_504 : vector<16xf32>
            %swap3A_506 = arith.index_cast %squeeze3A_400 : i32 to index
            %swap3A_507 = arith.constant 48 : index
            %swap3A_508 = tpu.vector_load %arg17[%swap3A_506, %swap3A_507] {strides = array<i32>} : memref<320x256xf32, #tpu.memory_space<vmem>>, vector<16xf32>,
            tpu.vector_store %arg17[%swap3A_506, %swap3A_507], %add3A_505 {strides = array<i32>} : memref<320x256xf32, #tpu.memory_space<vmem>>, vector<16xf32>,
            %get3A_509 = arith.index_cast %squeeze3A_400 : i32 to index
            %get3A_510 = arith.constant 176 : index
            %get3A_511 = tpu.vector_load %arg17[%get3A_509, %get3A_510] {strides = array<i32>} : memref<320x256xf32, #tpu.memory_space<vmem>>, vector<16xf32>,
            %mul3A_512 = vector.broadcast %squeeze3A_405 : f32 to vector<16xf32>
            %mul3A_513 = arith.mulf %bitcast_convert_type3A_499, %mul3A_512 : vector<16xf32>
            %add3A_514 = arith.addf %get3A_511, %mul3A_513 : vector<16xf32>
            %swap3A_515 = arith.index_cast %squeeze3A_400 : i32 to index
            %swap3A_516 = arith.constant 176 : index
            %swap3A_517 = tpu.vector_load %arg17[%swap3A_515, %swap3A_516] {strides = array<i32>} : memref<320x256xf32, #tpu.memory_space<vmem>>, vector<16xf32>,
            tpu.vector_store %arg17[%swap3A_515, %swap3A_516], %add3A_514 {strides = array<i32>} : memref<320x256xf32, #tpu.memory_space<vmem>>, vector<16xf32>,
            %get3A_518 = arith.index_cast %select_n3A_157 : i32 to index
            %get3A_519 = arith.index_cast %scan3A_395 : i32 to index
            %get3A_520 = arith.constant 64 : index
            %get3A_521 = tpu.vector_load %arg16[%get3A_518, %get3A_519, %get3A_520] {strides = array<i32>} : memref<4x16x128xi32, #tpu.memory_space<vmem>>, vector<16xi32>,
            %shift_left3A_522 = arith.constant 16 : i32
            %shift_left3A_523 = vector.broadcast %shift_left3A_522 : i32 to vector<16xi32>
            %shift_left3A_524 = arith.shli %get3A_521, %shift_left3A_523 : vector<16xi32>
            %bitcast_convert_type3A_525 = tpu.bitcast %shift_left3A_524 : vector<16xi32> -> vector<16xf32>
            %and3A_526 = arith.andi %get3A_521, %broadcast_in_dim3A_7 : vector<16xi32>
            %bitcast_convert_type3A_527 = tpu.bitcast %and3A_526 : vector<16xi32> -> vector<16xf32>
            %get3A_528 = arith.index_cast %squeeze3A_400 : i32 to index
            %get3A_529 = arith.constant 64 : index
            %get3A_530 = tpu.vector_load %arg17[%get3A_528, %get3A_529] {strides = array<i32>} : memref<320x256xf32, #tpu.memory_space<vmem>>, vector<16xf32>,
            %mul3A_531 = vector.broadcast %squeeze3A_405 : f32 to vector<16xf32>
            %mul3A_532 = arith.mulf %bitcast_convert_type3A_525, %mul3A_531 : vector<16xf32>
            %add3A_533 = arith.addf %get3A_530, %mul3A_532 : vector<16xf32>
            %swap3A_534 = arith.index_cast %squeeze3A_400 : i32 to index
            %swap3A_535 = arith.constant 64 : index
            %swap3A_536 = tpu.vector_load %arg17[%swap3A_534, %swap3A_535] {strides = array<i32>} : memref<320x256xf32, #tpu.memory_space<vmem>>, vector<16xf32>,
            tpu.vector_store %arg17[%swap3A_534, %swap3A_535], %add3A_533 {strides = array<i32>} : memref<320x256xf32, #tpu.memory_space<vmem>>, vector<16xf32>,
            %get3A_537 = arith.index_cast %squeeze3A_400 : i32 to index
            %get3A_538 = arith.constant 192 : index
            %get3A_539 = tpu.vector_load %arg17[%get3A_537, %get3A_538] {strides = array<i32>} : memref<320x256xf32, #tpu.memory_space<vmem>>, vector<16xf32>,
            %mul3A_540 = vector.broadcast %squeeze3A_405 : f32 to vector<16xf32>
            %mul3A_541 = arith.mulf %bitcast_convert_type3A_527, %mul3A_540 : vector<16xf32>
            %add3A_542 = arith.addf %get3A_539, %mul3A_541 : vector<16xf32>
            %swap3A_543 = arith.index_cast %squeeze3A_400 : i32 to index
            %swap3A_544 = arith.constant 192 : index
            %swap3A_545 = tpu.vector_load %arg17[%swap3A_543, %swap3A_544] {strides = array<i32>} : memref<320x256xf32, #tpu.memory_space<vmem>>, vector<16xf32>,
            tpu.vector_store %arg17[%swap3A_543, %swap3A_544], %add3A_542 {strides = array<i32>} : memref<320x256xf32, #tpu.memory_space<vmem>>, vector<16xf32>,
            %get3A_546 = arith.index_cast %select_n3A_157 : i32 to index
            %get3A_547 = arith.index_cast %scan3A_395 : i32 to index
            %get3A_548 = arith.constant 80 : index
            %get3A_549 = tpu.vector_load %arg16[%get3A_546, %get3A_547, %get3A_548] {strides = array<i32>} : memref<4x16x128xi32, #tpu.memory_space<vmem>>, vector<16xi32>,
            %shift_left3A_550 = arith.constant 16 : i32
            %shift_left3A_551 = vector.broadcast %shift_left3A_550 : i32 to vector<16xi32>
            %shift_left3A_552 = arith.shli %get3A_549, %shift_left3A_551 : vector<16xi32>
            %bitcast_convert_type3A_553 = tpu.bitcast %shift_left3A_552 : vector<16xi32> -> vector<16xf32>
            %and3A_554 = arith.andi %get3A_549, %broadcast_in_dim3A_7 : vector<16xi32>
            %bitcast_convert_type3A_555 = tpu.bitcast %and3A_554 : vector<16xi32> -> vector<16xf32>
            %get3A_556 = arith.index_cast %squeeze3A_400 : i32 to index
            %get3A_557 = arith.constant 80 : index
            %get3A_558 = tpu.vector_load %arg17[%get3A_556, %get3A_557] {strides = array<i32>} : memref<320x256xf32, #tpu.memory_space<vmem>>, vector<16xf32>,
            %mul3A_559 = vector.broadcast %squeeze3A_405 : f32 to vector<16xf32>
            %mul3A_560 = arith.mulf %bitcast_convert_type3A_553, %mul3A_559 : vector<16xf32>
            %add3A_561 = arith.addf %get3A_558, %mul3A_560 : vector<16xf32>
            %swap3A_562 = arith.index_cast %squeeze3A_400 : i32 to index
            %swap3A_563 = arith.constant 80 : index
            %swap3A_564 = tpu.vector_load %arg17[%swap3A_562, %swap3A_563] {strides = array<i32>} : memref<320x256xf32, #tpu.memory_space<vmem>>, vector<16xf32>,
            tpu.vector_store %arg17[%swap3A_562, %swap3A_563], %add3A_561 {strides = array<i32>} : memref<320x256xf32, #tpu.memory_space<vmem>>, vector<16xf32>,
            %get3A_565 = arith.index_cast %squeeze3A_400 : i32 to index
            %get3A_566 = arith.constant 208 : index
            %get3A_567 = tpu.vector_load %arg17[%get3A_565, %get3A_566] {strides = array<i32>} : memref<320x256xf32, #tpu.memory_space<vmem>>, vector<16xf32>,
            %mul3A_568 = vector.broadcast %squeeze3A_405 : f32 to vector<16xf32>
            %mul3A_569 = arith.mulf %bitcast_convert_type3A_555, %mul3A_568 : vector<16xf32>
            %add3A_570 = arith.addf %get3A_567, %mul3A_569 : vector<16xf32>
            %swap3A_571 = arith.index_cast %squeeze3A_400 : i32 to index
            %swap3A_572 = arith.constant 208 : index
            %swap3A_573 = tpu.vector_load %arg17[%swap3A_571, %swap3A_572] {strides = array<i32>} : memref<320x256xf32, #tpu.memory_space<vmem>>, vector<16xf32>,
            tpu.vector_store %arg17[%swap3A_571, %swap3A_572], %add3A_570 {strides = array<i32>} : memref<320x256xf32, #tpu.memory_space<vmem>>, vector<16xf32>,
            %get3A_574 = arith.index_cast %select_n3A_157 : i32 to index
            %get3A_575 = arith.index_cast %scan3A_395 : i32 to index
            %get3A_576 = arith.constant 96 : index
            %get3A_577 = tpu.vector_load %arg16[%get3A_574, %get3A_575, %get3A_576] {strides = array<i32>} : memref<4x16x128xi32, #tpu.memory_space<vmem>>, vector<16xi32>,
            %shift_left3A_578 = arith.constant 16 : i32
            %shift_left3A_579 = vector.broadcast %shift_left3A_578 : i32 to vector<16xi32>
            %shift_left3A_580 = arith.shli %get3A_577, %shift_left3A_579 : vector<16xi32>
            %bitcast_convert_type3A_581 = tpu.bitcast %shift_left3A_580 : vector<16xi32> -> vector<16xf32>
            %and3A_582 = arith.andi %get3A_577, %broadcast_in_dim3A_7 : vector<16xi32>
            %bitcast_convert_type3A_583 = tpu.bitcast %and3A_582 : vector<16xi32> -> vector<16xf32>
            %get3A_584 = arith.index_cast %squeeze3A_400 : i32 to index
            %get3A_585 = arith.constant 96 : index
            %get3A_586 = tpu.vector_load %arg17[%get3A_584, %get3A_585] {strides = array<i32>} : memref<320x256xf32, #tpu.memory_space<vmem>>, vector<16xf32>,
            %mul3A_587 = vector.broadcast %squeeze3A_405 : f32 to vector<16xf32>
            %mul3A_588 = arith.mulf %bitcast_convert_type3A_581, %mul3A_587 : vector<16xf32>
            %add3A_589 = arith.addf %get3A_586, %mul3A_588 : vector<16xf32>
            %swap3A_590 = arith.index_cast %squeeze3A_400 : i32 to index
            %swap3A_591 = arith.constant 96 : index
            %swap3A_592 = tpu.vector_load %arg17[%swap3A_590, %swap3A_591] {strides = array<i32>} : memref<320x256xf32, #tpu.memory_space<vmem>>, vector<16xf32>,
            tpu.vector_store %arg17[%swap3A_590, %swap3A_591], %add3A_589 {strides = array<i32>} : memref<320x256xf32, #tpu.memory_space<vmem>>, vector<16xf32>,
            %get3A_593 = arith.index_cast %squeeze3A_400 : i32 to index
            %get3A_594 = arith.constant 224 : index
            %get3A_595 = tpu.vector_load %arg17[%get3A_593, %get3A_594] {strides = array<i32>} : memref<320x256xf32, #tpu.memory_space<vmem>>, vector<16xf32>,
            %mul3A_596 = vector.broadcast %squeeze3A_405 : f32 to vector<16xf32>
            %mul3A_597 = arith.mulf %bitcast_convert_type3A_583, %mul3A_596 : vector<16xf32>
            %add3A_598 = arith.addf %get3A_595, %mul3A_597 : vector<16xf32>
            %swap3A_599 = arith.index_cast %squeeze3A_400 : i32 to index
            %swap3A_600 = arith.constant 224 : index
            %swap3A_601 = tpu.vector_load %arg17[%swap3A_599, %swap3A_600] {strides = array<i32>} : memref<320x256xf32, #tpu.memory_space<vmem>>, vector<16xf32>,
            tpu.vector_store %arg17[%swap3A_599, %swap3A_600], %add3A_598 {strides = array<i32>} : memref<320x256xf32, #tpu.memory_space<vmem>>, vector<16xf32>,
            %get3A_602 = arith.index_cast %select_n3A_157 : i32 to index
            %get3A_603 = arith.index_cast %scan3A_395 : i32 to index
            %get3A_604 = arith.constant 112 : index
            %get3A_605 = tpu.vector_load %arg16[%get3A_602, %get3A_603, %get3A_604] {strides = array<i32>} : memref<4x16x128xi32, #tpu.memory_space<vmem>>, vector<16xi32>,
            %shift_left3A_606 = arith.constant 16 : i32
            %shift_left3A_607 = vector.broadcast %shift_left3A_606 : i32 to vector<16xi32>
            %shift_left3A_608 = arith.shli %get3A_605, %shift_left3A_607 : vector<16xi32>
            %bitcast_convert_type3A_609 = tpu.bitcast %shift_left3A_608 : vector<16xi32> -> vector<16xf32>
            %and3A_610 = arith.andi %get3A_605, %broadcast_in_dim3A_7 : vector<16xi32>
            %bitcast_convert_type3A_611 = tpu.bitcast %and3A_610 : vector<16xi32> -> vector<16xf32>
            %get3A_612 = arith.index_cast %squeeze3A_400 : i32 to index
            %get3A_613 = arith.constant 112 : index
            %get3A_614 = tpu.vector_load %arg17[%get3A_612, %get3A_613] {strides = array<i32>} : memref<320x256xf32, #tpu.memory_space<vmem>>, vector<16xf32>,
            %mul3A_615 = vector.broadcast %squeeze3A_405 : f32 to vector<16xf32>
            %mul3A_616 = arith.mulf %bitcast_convert_type3A_609, %mul3A_615 : vector<16xf32>
            %add3A_617 = arith.addf %get3A_614, %mul3A_616 : vector<16xf32>
            %swap3A_618 = arith.index_cast %squeeze3A_400 : i32 to index
            %swap3A_619 = arith.constant 112 : index
            %swap3A_620 = tpu.vector_load %arg17[%swap3A_618, %swap3A_619] {strides = array<i32>} : memref<320x256xf32, #tpu.memory_space<vmem>>, vector<16xf32>,
            tpu.vector_store %arg17[%swap3A_618, %swap3A_619], %add3A_617 {strides = array<i32>} : memref<320x256xf32, #tpu.memory_space<vmem>>, vector<16xf32>,
            %get3A_621 = arith.index_cast %squeeze3A_400 : i32 to index
            %get3A_622 = arith.constant 240 : index
            %get3A_623 = tpu.vector_load %arg17[%get3A_621, %get3A_622] {strides = array<i32>} : memref<320x256xf32, #tpu.memory_space<vmem>>, vector<16xf32>,
            %mul3A_624 = vector.broadcast %squeeze3A_405 : f32 to vector<16xf32>
            %mul3A_625 = arith.mulf %bitcast_convert_type3A_611, %mul3A_624 : vector<16xf32>
            %add3A_626 = arith.addf %get3A_623, %mul3A_625 : vector<16xf32>
            %swap3A_627 = arith.index_cast %squeeze3A_400 : i32 to index
            %swap3A_628 = arith.constant 240 : index
            %swap3A_629 = tpu.vector_load %arg17[%swap3A_627, %swap3A_628] {strides = array<i32>} : memref<320x256xf32, #tpu.memory_space<vmem>>, vector<16xf32>,
            tpu.vector_store %arg17[%swap3A_627, %swap3A_628], %add3A_626 {strides = array<i32>} : memref<320x256xf32, #tpu.memory_space<vmem>>, vector<16xf32>,
          }
          %scan3A_163 = arith.constant 16 : i32
        } else {
        }
        %lt3A = arith.cmpi slt, %while3A_120, %max3A_108 : i32
        %convert_element_type3A_123 = arith.extui %lt3A : i1 to i32
        %cond3A_124 = arith.constant 0 : i32
        %cond3A_125 = arith.cmpi ne, %convert_element_type3A_123, %cond3A_124 : i32
        scf.if %cond3A_125 {
          %jit3A_126 = arith.constant 4 : i32
          %eq3A = arith.constant 0 : i32
          %eq3A_127 = arith.cmpi eq, %jit3A_126, %eq3A : i32
          %jit3A_128 = arith.constant 1 : i32
          %select_n3A_129 = arith.select %eq3A_127, %jit3A_128, %jit3A_126 : i32
          %rem3A_130 = arith.remsi %while3A_120, %select_n3A_129 : i32
          %ne3A_131 = arith.constant 0 : i32
          %ne3A_132 = arith.cmpi ne, %rem3A_130, %ne3A_131 : i32
          %lt3A_133 = arith.constant 0 : i32
          %lt3A_134 = arith.cmpi slt, %rem3A_130, %lt3A_133 : i32
          %lt3A_135 = arith.constant 0 : i32
          %lt3A_136 = arith.cmpi slt, %select_n3A_129, %lt3A_135 : i32
          %ne3A_137 = arith.xori %lt3A_134, %lt3A_136 : i1
          %and3A_138 = arith.andi %ne3A_137, %ne3A_132 : i1
          %add3A_139 = arith.addi %rem3A_130, %select_n3A_129 : i32
          %select_n3A_140 = arith.select %and3A_138, %add3A_139, %rem3A_130 : i32
          %mul3A_141 = arith.constant 16 : i32
          %mul3A_142 = arith.muli %while3A_120, %mul3A_141 : i32
          %add3A_143 = arith.constant 0 : i32
          %add3A_144 = arith.addi %mul3A_142, %add3A_143 : i32
          %get3A = arith.index_cast %add3A_144 : i32 to index
          %get3A_145 = tpu.vector_load %arg12[%get3A] {strides = array<i32>} : memref<1056xi32, #tpu.memory_space<vmem>>, vector<16xi32>,
          %gather3A = tpu.vector_load_idx %arg9[%get3A_145] : memref<1040xi32, #tpu.memory_space<vmem>>[vector<16xi32>], vector<16xi32>,
          %mul3A_146 = arith.constant 10240 : i32
          %mul3A_147 = vector.broadcast %mul3A_146 : i32 to vector<16xi32>
          %mul3A_148 = arith.muli %gather3A, %mul3A_147 : vector<16xi32>
          %gather3A_149 = tpu.vector_load_idx %arg8[%get3A_145] : memref<1040xi32, #tpu.memory_space<vmem>>[vector<16xi32>], vector<16xi32>,
          %add3A_150 = arith.addi %mul3A_148, %gather3A_149 : vector<16xi32>
          %swap3A_151 = arith.index_cast %select_n3A_140 : i32 to index
          %swap3A_152 = arith.constant 0 : index
          %swap3A_153 = tpu.vector_load %arg13[%swap3A_151, %swap3A_152] {strides = array<i32>} : memref<4x16xi32, #tpu.memory_space<vmem>>, vector<16xi32>,
          tpu.vector_store %arg13[%swap3A_151, %swap3A_152], %add3A_150 {strides = array<i32>} : memref<4x16xi32, #tpu.memory_space<vmem>>, vector<16xi32>,
          %gather3A_154 = tpu.vector_load_idx %arg10[%get3A_145] : memref<1040xi32, #tpu.memory_space<vmem>>[vector<16xi32>], vector<16xi32>,
          %sub3A_155 = vector.broadcast %mul3A_2 : i32 to vector<16xi32>
          %sub3A_156 = arith.subi %gather3A_154, %sub3A_155 : vector<16xi32>
          %swap3A_157 = arith.index_cast %select_n3A_140 : i32 to index
          %swap3A_158 = arith.constant 0 : index
          %swap3A_159 = tpu.vector_load %arg14[%swap3A_157, %swap3A_158] {strides = array<i32>} : memref<4x32xi32, #tpu.memory_space<vmem>>, vector<16xi32>,
          tpu.vector_store %arg14[%swap3A_157, %swap3A_158], %sub3A_156 {strides = array<i32>} : memref<4x32xi32, #tpu.memory_space<vmem>>, vector<16xi32>,
          %gather3A_160 = tpu.vector_load_idx %arg11[%get3A_145] : memref<1040xf32, #tpu.memory_space<vmem>>[vector<16xi32>], vector<16xf32>,
          %swap3A_161 = arith.index_cast %select_n3A_140 : i32 to index
          %swap3A_162 = arith.constant 0 : index
          %swap3A_163 = tpu.vector_load %arg15[%swap3A_161, %swap3A_162] {strides = array<i32>} : memref<4x32xf32, #tpu.memory_space<vmem>>, vector<16xf32>,
          tpu.vector_store %arg15[%swap3A_161, %swap3A_162], %gather3A_160 {strides = array<i32>} : memref<4x32xf32, #tpu.memory_space<vmem>>, vector<16xf32>,
          %dma_start3A_164 = arith.constant 0 : i32
          %dma_start3A_165 = arith.constant 0 : i32
          %dma_start3A_166 = tpu.memref_slice %arg16[%select_n3A_140, %dma_start3A_164, %dma_start3A_165] : memref<4x16x128xi32, #tpu.memory_space<vmem>> -> memref<1x16x128xi32, #tpu.memory_space<vmem>>
          %dma_start3A_167 = tpu.memref_squeeze %dma_start3A_166 : memref<1x16x128xi32, #tpu.memory_space<vmem>> -> memref<16x128xi32, #tpu.memory_space<vmem>>
          %dma_start3A_168 = arith.constant 0 : i32
          %dma_start3A_169 = tpu.memref_slice %arg13[%select_n3A_140, %dma_start3A_168] : memref<4x16xi32, #tpu.memory_space<vmem>> -> memref<1x16xi32, #tpu.memory_space<vmem>>
          %dma_start3A_170 = tpu.memref_squeeze %dma_start3A_169 : memref<1x16xi32, #tpu.memory_space<vmem>> -> memref<16xi32, #tpu.memory_space<vmem>>
          %dma_start3A_171 = arith.constant 0 : i32
          %dma_start3A_172 = arith.constant 0 : i32
          %dma_start3A_173 = tpu.memref_slice %arg2[%dma_start3A_171, %dma_start3A_172] : memref<81920x128xi32, #tpu.memory_space<hbm>> -> memref<81920x128xi32, #tpu.memory_space<hbm>>
          tpu.enqueue_indirect_dma source(%dma_start3A_173 : memref<81920x128xi32, #tpu.memory_space<hbm>>) target(%dma_start3A_167 : memref<16x128xi32, #tpu.memory_space<vmem>>) offsets(%dma_start3A_170 : memref<16xi32, #tpu.memory_space<vmem>>) semaphore(%arg19 : memref<!tpu.dma_semaphore, #tpu.memory_space<semaphore_mem>>)
        } else {
        }
      }
    }
    %scan3A_14 = arith.constant 160 : i32
    %parallel_loop3A_15 = arith.constant 0 : i32
    %parallel_loop3A_16 = arith.constant 5120 : i32
    %parallel_loop3A_17 = arith.constant 1 : i32
    scf.for %parallel_loop3A_18 = %parallel_loop3A_15 to %parallel_loop3A_16 step %parallel_loop3A_17  : i32 {
      %parallel_loop3A_19 = arith.constant 16 : i32
      %parallel_loop3A_20 = arith.constant 0 : i32
      %parallel_loop3A_21 = arith.cmpi eq, %parallel_loop3A_19, %parallel_loop3A_20 : i32
      %parallel_loop3A_22 = arith.constant 1 : i32
      %parallel_loop3A_23 = arith.select %parallel_loop3A_21, %parallel_loop3A_22, %parallel_loop3A_19 : i32
      %parallel_loop3A_24 = arith.remsi %parallel_loop3A_18, %parallel_loop3A_23 : i32
      %parallel_loop3A_25 = arith.constant 0 : i32
      %parallel_loop3A_26 = arith.cmpi ne, %parallel_loop3A_24, %parallel_loop3A_25 : i32
      %parallel_loop3A_27 = arith.constant 0 : i32
      %parallel_loop3A_28 = arith.cmpi slt, %parallel_loop3A_24, %parallel_loop3A_27 : i32
      %parallel_loop3A_29 = arith.constant 0 : i32
      %parallel_loop3A_30 = arith.cmpi slt, %parallel_loop3A_23, %parallel_loop3A_29 : i32
      %parallel_loop3A_31 = arith.xori %parallel_loop3A_28, %parallel_loop3A_30 : i1
      %parallel_loop3A_32 = arith.andi %parallel_loop3A_31, %parallel_loop3A_26 : i1
      %parallel_loop3A_33 = arith.addi %parallel_loop3A_24, %parallel_loop3A_23 : i32
      %parallel_loop3A_34 = arith.select %parallel_loop3A_32, %parallel_loop3A_33, %parallel_loop3A_24 : i32
      %parallel_loop3A_35 = arith.constant 16 : i32
      %parallel_loop3A_36 = arith.muli %parallel_loop3A_34, %parallel_loop3A_35 : i32
      %parallel_loop3A_37 = arith.constant 16 : i32
      %parallel_loop3A_38 = arith.divsi %parallel_loop3A_18, %parallel_loop3A_37 : i32
      %parallel_loop3A_39 = arith.constant 0 : i32
      %parallel_loop3A_40 = arith.cmpi sgt, %parallel_loop3A_18, %parallel_loop3A_39 : i32
      %parallel_loop3A_41 = arith.extui %parallel_loop3A_40 : i1 to i32
      %parallel_loop3A_42 = arith.constant 0 : i32
      %parallel_loop3A_43 = arith.cmpi slt, %parallel_loop3A_18, %parallel_loop3A_42 : i32
      %parallel_loop3A_44 = arith.extui %parallel_loop3A_43 : i1 to i32
      %parallel_loop3A_45 = arith.subi %parallel_loop3A_41, %parallel_loop3A_44 : i32
      %parallel_loop3A_46 = arith.constant 0 : i32
      %parallel_loop3A_47 = arith.cmpi sgt, %parallel_loop3A_37, %parallel_loop3A_46 : i32
      %parallel_loop3A_48 = arith.extui %parallel_loop3A_47 : i1 to i32
      %parallel_loop3A_49 = arith.constant 0 : i32
      %parallel_loop3A_50 = arith.cmpi slt, %parallel_loop3A_37, %parallel_loop3A_49 : i32
      %parallel_loop3A_51 = arith.extui %parallel_loop3A_50 : i1 to i32
      %parallel_loop3A_52 = arith.subi %parallel_loop3A_48, %parallel_loop3A_51 : i32
      %parallel_loop3A_53 = arith.cmpi ne, %parallel_loop3A_45, %parallel_loop3A_52 : i32
      %parallel_loop3A_54 = arith.remsi %parallel_loop3A_18, %parallel_loop3A_37 : i32
      %parallel_loop3A_55 = arith.constant 0 : i32
      %parallel_loop3A_56 = arith.cmpi ne, %parallel_loop3A_54, %parallel_loop3A_55 : i32
      %parallel_loop3A_57 = arith.andi %parallel_loop3A_53, %parallel_loop3A_56 : i1
      %parallel_loop3A_58 = arith.constant 1 : i32
      %parallel_loop3A_59 = arith.subi %parallel_loop3A_38, %parallel_loop3A_58 : i32
      %parallel_loop3A_60 = arith.select %parallel_loop3A_57, %parallel_loop3A_59, %parallel_loop3A_38 : i32
      %parallel_loop3A_61 = arith.index_cast %parallel_loop3A_60 : i32 to index
      %parallel_loop3A_62 = arith.index_cast %parallel_loop3A_36 : i32 to index
      %parallel_loop3A_63 = tpu.vector_load %arg17[%parallel_loop3A_61, %parallel_loop3A_62] {strides = array<i32>} : memref<320x256xf32, #tpu.memory_space<vmem>>, vector<16xf32>,
      %parallel_loop3A_64 = arith.constant 0.000000e+00 : f32
      %parallel_loop3A_65 = vector.broadcast %parallel_loop3A_64 : f32 to vector<16xf32>
      %parallel_loop3A_66 = arith.maximumf %parallel_loop3A_63, %parallel_loop3A_65 : vector<16xf32>
      %parallel_loop3A_67 = arith.constant 16 : i32
      %parallel_loop3A_68 = arith.divsi %parallel_loop3A_18, %parallel_loop3A_67 : i32
      %parallel_loop3A_69 = arith.constant 0 : i32
      %parallel_loop3A_70 = arith.cmpi sgt, %parallel_loop3A_18, %parallel_loop3A_69 : i32
      %parallel_loop3A_71 = arith.extui %parallel_loop3A_70 : i1 to i32
      %parallel_loop3A_72 = arith.constant 0 : i32
      %parallel_loop3A_73 = arith.cmpi slt, %parallel_loop3A_18, %parallel_loop3A_72 : i32
      %parallel_loop3A_74 = arith.extui %parallel_loop3A_73 : i1 to i32
      %parallel_loop3A_75 = arith.subi %parallel_loop3A_71, %parallel_loop3A_74 : i32
      %parallel_loop3A_76 = arith.constant 0 : i32
      %parallel_loop3A_77 = arith.cmpi sgt, %parallel_loop3A_67, %parallel_loop3A_76 : i32
      %parallel_loop3A_78 = arith.extui %parallel_loop3A_77 : i1 to i32
      %parallel_loop3A_79 = arith.constant 0 : i32
      %parallel_loop3A_80 = arith.cmpi slt, %parallel_loop3A_67, %parallel_loop3A_79 : i32
      %parallel_loop3A_81 = arith.extui %parallel_loop3A_80 : i1 to i32
      %parallel_loop3A_82 = arith.subi %parallel_loop3A_78, %parallel_loop3A_81 : i32
      %parallel_loop3A_83 = arith.cmpi ne, %parallel_loop3A_75, %parallel_loop3A_82 : i32
      %parallel_loop3A_84 = arith.remsi %parallel_loop3A_18, %parallel_loop3A_67 : i32
      %parallel_loop3A_85 = arith.constant 0 : i32
      %parallel_loop3A_86 = arith.cmpi ne, %parallel_loop3A_84, %parallel_loop3A_85 : i32
      %parallel_loop3A_87 = arith.andi %parallel_loop3A_83, %parallel_loop3A_86 : i1
      %parallel_loop3A_88 = arith.constant 1 : i32
      %parallel_loop3A_89 = arith.subi %parallel_loop3A_68, %parallel_loop3A_88 : i32
      %parallel_loop3A_90 = arith.select %parallel_loop3A_87, %parallel_loop3A_89, %parallel_loop3A_68 : i32
      %parallel_loop3A_91 = arith.index_cast %parallel_loop3A_90 : i32 to index
      %parallel_loop3A_92 = arith.index_cast %parallel_loop3A_36 : i32 to index
      %parallel_loop3A_93 = tpu.vector_load %arg17[%parallel_loop3A_91, %parallel_loop3A_92] {strides = array<i32>} : memref<320x256xf32, #tpu.memory_space<vmem>>, vector<16xf32>,
      tpu.vector_store %arg17[%parallel_loop3A_91, %parallel_loop3A_92], %parallel_loop3A_66 {strides = array<i32>} : memref<320x256xf32, #tpu.memory_space<vmem>>, vector<16xf32>,
    } {sc.loop_unroll_factor = 8 : i64, sc.parallel_access}
    "tpu.region"() ({
      %run_scoped3A = tpu.sem_alloc : memref<!tpu.dma_semaphore, #tpu.memory_space<semaphore_mem>>
      %dma_start3A = arith.constant 0 : i32
      %dma_start3A_18 = tpu.memref_slice %arg7[%mul3A_2, %dma_start3A] : memref<10240x256xf32, #tpu.memory_space<hbm>> -> memref<320x256xf32, #tpu.memory_space<hbm>>
      %dma_start3A_19 = arith.constant 0 : i32
      %dma_start3A_20 = tpu.memref_slice %arg7[%mul3A_2, %dma_start3A_19] : memref<10240x256xf32, #tpu.memory_space<hbm>> -> memref<320x256xf32, #tpu.memory_space<hbm>>
      tpu.enqueue_dma source(%arg17 : memref<320x256xf32, #tpu.memory_space<vmem>>) target(%dma_start3A_20 : memref<320x256xf32, #tpu.memory_space<hbm>>) target_semaphore(%run_scoped3A : memref<!tpu.dma_semaphore, #tpu.memory_space<semaphore_mem>>)
      %dma_wait3A = arith.constant 0 : i32
      %dma_wait3A_21 = tpu.memref_slice %arg7[%mul3A_2, %dma_wait3A] : memref<10240x256xf32, #tpu.memory_space<hbm>> -> memref<320x256xf32, #tpu.memory_space<hbm>>
      %dma_wait3A_22 = arith.constant 0 : i32
      %dma_wait3A_23 = tpu.memref_slice %arg7[%mul3A_2, %dma_wait3A_22] : memref<10240x256xf32, #tpu.memory_space<hbm>> -> memref<320x256xf32, #tpu.memory_space<hbm>>
      tpu.wait_dma2 semaphore(%run_scoped3A : memref<!tpu.dma_semaphore, #tpu.memory_space<semaphore_mem>>) src(%arg17 : memref<320x256xf32, #tpu.memory_space<vmem>>) dst(%dma_wait3A_23 : memref<320x256xf32, #tpu.memory_space<hbm>>)
      tpu.yield
    }) : () -> ()
    return
  }
}

module attributes {stable_mosaic.version = 14 : i64} {
  func.func @_table_body(%arg0: i32, %arg1: i32, %arg2: memref<1024x256xf32, #tpu.memory_space<vmem>>, %arg3: memref<1x256x256xf32, #tpu.memory_space<vmem>>, %arg4: memref<8x256xf32, #tpu.memory_space<vmem>>, %arg5: memref<1024x128xi32, #tpu.memory_space<vmem>>) attributes {dimension_semantics = [#tpu.dimension_semantics<arbitrary>, #tpu.dimension_semantics<arbitrary>], iteration_bounds = array<i64: 10, 8>, scalar_prefetch = 0 : i64, scratch_operands = 0 : i64, tpu.core_type = #tpu.core_type<tc>, window_params = [{transform_indices = @transform_0, window_bounds = array<i64: 1024, 256>}, {transform_indices = @transform_1, window_bounds = array<i64: 1, 256, 256>}, {pipeline_mode = #tpu.pipeline_mode<synchronous>, transform_indices = @transform_2, window_bounds = array<i64: 8, 256>}, {transform_indices = @transform_3, window_bounds = array<i64: 1024, 128>}]} {
    %get3A = arith.constant 0 : index
    %get3A_0 = arith.constant 0 : index
    %get3A_1 = vector.load %arg2[%get3A, %get3A_0] : memref<1024x256xf32, #tpu.memory_space<vmem>>, vector<1024x256xf32>
    %get3A_2 = arith.constant 0 : index
    %get3A_3 = arith.constant 0 : index
    %get3A_4 = arith.constant 0 : index
    %get3A_5 = vector.load %arg3[%get3A_2, %get3A_3, %get3A_4] : memref<1x256x256xf32, #tpu.memory_space<vmem>>, vector<1x256x256xf32>
    %get3A_6 = vector.shape_cast %get3A_5 : vector<1x256x256xf32> to vector<256x256xf32>
    %dot_general3A = arith.constant dense<0.000000e+00> : vector<1024x256xf32>
    %dot_general3A_7 = tpu.matmul %get3A_1, %get3A_6, %dot_general3A {dimension_numbers = #tpu.dot_dimension_numbers<[1], [0], [0], [1], [0, 0, 1, 1], [], []>, transpose_lhs_hint = false} : vector<1024x256xf32>, vector<256x256xf32>, vector<1024x256xf32> -> vector<1024x256xf32>
    %get3A_8 = arith.index_cast %arg1 : i32 to index
    %get3A_9 = arith.constant 0 : index
    %get3A_10 = vector.load %arg4[%get3A_8, %get3A_9] : memref<8x256xf32, #tpu.memory_space<vmem>>, vector<1x256xf32>
    %get3A_11 = vector.shape_cast %get3A_10 : vector<1x256xf32> to vector<256xf32>
    %broadcast_in_dim3A = vector.shape_cast %get3A_11 : vector<256xf32> to vector<1x256xf32>
    %mul3A = vector.broadcast %broadcast_in_dim3A : vector<1x256xf32> to vector<1024x256xf32>
    %mul3A_12 = arith.mulf %get3A_1, %mul3A : vector<1024x256xf32>
    %reduce_sum3A = arith.constant dense<0.000000e+00> : vector<1024xf32>
    %reduce_sum3A_13 = vector.multi_reduction <add>, %mul3A_12, %reduce_sum3A [1] : vector<1024x256xf32> to vector<1024xf32>
    %broadcast_in_dim3A_14 = vector.shape_cast %reduce_sum3A_13 : vector<1024xf32> to vector<1024x1xf32>
    %logistic3A = arith.negf %broadcast_in_dim3A_14 : vector<1024x1xf32>
    %logistic3A_15 = math.exp %logistic3A : vector<1024x1xf32>
    %logistic3A_16 = arith.constant 1.000000e+00 : f32
    %logistic3A_17 = vector.broadcast %logistic3A_16 : f32 to vector<1024x1xf32>
    %logistic3A_18 = arith.addf %logistic3A_17, %logistic3A_15 : vector<1024x1xf32>
    %logistic3A_19 = arith.divf %logistic3A_17, %logistic3A_18 : vector<1024x1xf32>
    %mul3A_20 = vector.broadcast %logistic3A_19 : vector<1024x1xf32> to vector<1024x256xf32>
    %mul3A_21 = arith.mulf %dot_general3A_7, %mul3A_20 : vector<1024x256xf32>
    %slice3A = vector.extract_strided_slice %mul3A_21 {offsets = [0, 0], sizes = [1024, 128], strides = [1, 1]} : vector<1024x256xf32> to vector<1024x128xf32>
    %convert_element_type3A = arith.truncf %slice3A : vector<1024x128xf32> to vector<1024x128xbf16>
    %bitcast_convert_type3A = tpu.bitcast %convert_element_type3A : vector<1024x128xbf16> -> vector<1024x128xi16>
    %convert_element_type3A_22 = arith.extui %bitcast_convert_type3A : vector<1024x128xi16> to vector<1024x128xi32>
    %slice3A_23 = vector.extract_strided_slice %mul3A_21 {offsets = [0, 128], sizes = [1024, 128], strides = [1, 1]} : vector<1024x256xf32> to vector<1024x128xf32>
    %convert_element_type3A_24 = arith.truncf %slice3A_23 : vector<1024x128xf32> to vector<1024x128xbf16>
    %bitcast_convert_type3A_25 = tpu.bitcast %convert_element_type3A_24 : vector<1024x128xbf16> -> vector<1024x128xi16>
    %convert_element_type3A_26 = arith.extui %bitcast_convert_type3A_25 : vector<1024x128xi16> to vector<1024x128xi32>
    %shift_left3A = arith.constant 16 : i32
    %shift_left3A_27 = vector.broadcast %shift_left3A : i32 to vector<1024x128xi32>
    %shift_left3A_28 = arith.shli %convert_element_type3A_26, %shift_left3A_27 : vector<1024x128xi32>
    %or3A = arith.ori %convert_element_type3A_22, %shift_left3A_28 : vector<1024x128xi32>
    %swap3A = arith.constant 0 : index
    %swap3A_29 = arith.constant 0 : index
    %swap3A_30 = vector.load %arg5[%swap3A, %swap3A_29] : memref<1024x128xi32, #tpu.memory_space<vmem>>, vector<1024x128xi32>
    tpu.vector_store %arg5[%swap3A, %swap3A_29], %or3A {strides = array<i32>} : memref<1024x128xi32, #tpu.memory_space<vmem>>, vector<1024x128xi32>,
    return
  }
  func.func @transform_0(%arg0: i32, %arg1: i32) -> (i32, i32) {
    %c0_i32 = arith.constant 0 : i32
    %c0_i32_0 = arith.constant 0 : i32
    return %arg0, %c0_i32 : i32, i32
  }
  func.func @transform_1(%arg0: i32, %arg1: i32) -> (i32, i32, i32) {
    %c0_i32 = arith.constant 0 : i32
    %c0_i32_0 = arith.constant 0 : i32
    %c0_i32_1 = arith.constant 0 : i32
    return %arg1, %c0_i32, %c0_i32_0 : i32, i32, i32
  }
  func.func @transform_2(%arg0: i32, %arg1: i32) -> (i32, i32) {
    %c0_i32 = arith.constant 0 : i32
    %c0_i32_0 = arith.constant 0 : i32
    %c0_i32_1 = arith.constant 0 : i32
    return %c0_i32, %c0_i32_0 : i32, i32
  }
  func.func @transform_3(%arg0: i32, %arg1: i32) -> (i32, i32) {
    %mul3A = arith.constant 10 : i32
    %mul3A_0 = arith.muli %arg1, %mul3A : i32
    %add3A = arith.addi %mul3A_0, %arg0 : i32
    %c0_i32 = arith.constant 0 : i32
    %c0_i32_1 = arith.constant 0 : i32
    return %add3A, %c0_i32 : i32, i32
  }
}

</mosaic_0001>

<sc_bundles>
// kernel: kernel.4.cloned.1.call-start
scs
__scs_entry_jumppad:
0x0: {  	(pc) =	sbr.rel $0x88, $3  }
0x1: {  	(tag) =	ssettag $0x0;
	lr =	simm.s32 $0x1  }
0x2: {  	[smem:$0x3F9B] =	sst lr;
	_ =	strace $0xD0000000  }
0x3: {  	_ = 	snop  }
0x4: {  	_ = 	snop  }
0x5: {  	_ = 	snop  }
0x6: {  	_ = 	snop  }
0x7: {  	_ = 	snop  }
__scs_overlays_trampoline_lowered:
0x8: {  	[smem:$0x3FAA] =	sst s0  }
0x9: {  	[smem:$0x3FAB] =	sst s1  }
0xa: {  	[smem:$0x3FAC] =	sst s2  }
0xb: {  	[smem:$0x3FAD] =	sst s3  }
0xc: {  	[smem:$0x3FAE] =	sst s4  }
0xd: {  	[smem:$0x3FAF] =	sst s5  }
0xe: {  	[smem:$0x3FB0] =	sst s6  }
0xf: {  	[smem:$0x3FB1] =	sst s7  }
0x10: {  	[smem:$0x3FB2] =	sst s8  }
0x11: {  	[smem:$0x3FB3] =	sst s9;
	s0 =	simm.s32 @!p0 $0x0  }
0x12: {  	s1 =	sld [smem:$0x3F99];
	s0 =	simm.s32 @p0 $0x1  }
0x13: {  	[smem:$0x3FB4] =	sst s0;
	s0 =	simm.s32 @!p1 $0x0  }
0x14: {  	s2 =	sld [smem:$0x3F98];
	s0 =	simm.s32 @p1 $0x1  }
0x15: {  	[smem:$0x3FB5] =	sst s0;
	s0 =	simm.s32 @!p2 $0x0  }
0x16: {  	s3 =	sld [smem:$0x3FDB];
	s0 =	simm.s32 @p2 $0x1  }
0x17: {  	s4 =	simm.s32 $0x1BF5;
	[smem:$0x3FB7] =	sst s0  }
0x18: {  	s0 =	sld [smem:$0x3F9A];
	_ =	swait.ge [sflag:s4], $0x0  }
0x19: {  	s7 =	sld [smem:$0x3F9B]  }
0x1a: {  	s8 =	sadd.s32 $0xFFFFE003, lr  }
0x1b: {  	s9 =	sadd.s32 $0xFFFFFEF7, lr;
	s5 =	simm.s32 $0xFFFFFFFF;
	p2 =	slt.u32 s8, $0xFFFFF086  }
0x1c: {  	p1 =	slt.u32 s9, $0xF7A;
	s5 =	simm.s32 @!p2 $0x0  }
0x1d: {  	s5 =	simm.s32 @p1 $0x1;
	p0 =	seq.s32 s7, s2  }
0x1e: {  	s7 =	smul.u32 @!p0 $0xF7A, s2;
	p2 =	seq.s32 @!p0 s5, $0x0  }
0x1f: {  	s9 =	smul.u32 $0xF7A, s1;
	s8 =	simm.s32 @!p0 $0x1BF5;
	p2 =	por !p2, p0  }
0x20: {  	[sflag:s8] =	ssyncset.s32 @!p0 $0xFFFFF086;
	s6 =	sadd.s32 @!p0 s3, s7;
	s7 =	simm.s32 @!p0 $0x108  }
0x21: {  	s3 =	sadd.s32 s3, s9;
	s6 =	sadd.s32 @!p0 $0x88, s6;
	s7 =	simm.s32 @p2 $0x1082  }
0x22: {  	[simem:s7], [sflag:s8] =	dma.local @!p0 [hbm:s6], $0xF7A  }
0x23: {  	s9 =	sor.u32 $0xD0000000, s2;
	s6 =	simm.s32 $0x108;
	_ =	swait.ge @!p0 [sflag:s8], $0x0  }
0x24: {  	s3 =	sadd.s32 $0x88, s3;
	s6 =	simm.s32 @!p1 $0x1082;
	[sflag:s4] =	ssyncset.s32 $0xFFFFF086  }
0x25: {  	[simem:s6], [sflag:s4] =	dma.local [hbm:s3], $0xF7A  }
0x26: {  	[smem:$0x3F9B] =	sst s1;
	(tag) =	ssettag s2;
	_ =	strace s9  }
0x27: {  	s1 =	sld [smem:$0x3FAB]  }
0x28: {  	s2 =	sld [smem:$0x3FAC]  }
0x29: {  	s4 =	sld [smem:$0x3FAE]  }
0x2a: {  	p0 =	seq.s32 s5, $0x0;
	s5 =	sld [smem:$0x3FAF]  }
0x2b: {  	s6 =	sld [smem:$0x3FB0]  }
0x2c: {  	s7 =	sld [smem:$0x3FB1]  }
0x2d: {  	s3 =	simm.s32 $0x108;
	s8 =	sld [smem:$0x3FB2]  }
0x2e: {  	s3 =	simm.s32 @!p0 $0x1082;
	s9 =	sld [smem:$0x3FB3]  }
0x2f: {  	lr =	sadd.s32 s0, s3;
	s0 =	sld [smem:$0x3FAA]  }
0x30: {  	s3 =	sld [smem:$0x3FAD]  }
0x31: {  	[smem:$0x3FB6] =	sst s10  }
0x32: {  	s10 =	sld [smem:$0x3FB4];
	_ =	sdelay $0x3  }
0x33: {  	p0 =	seq.s32 s10, $0x1;
	s10 =	sld [smem:$0x3FB6];
	_ =	sdelay $0x3  }
0x34: {  	[smem:$0x3FB6] =	sst s10  }
0x35: {  	s10 =	sld [smem:$0x3FB5];
	_ =	sdelay $0x3  }
0x36: {  	p1 =	seq.s32 s10, $0x1;
	s10 =	sld [smem:$0x3FB6];
	_ =	sdelay $0x3  }
0x37: {  	[smem:$0x3FB6] =	sst s10  }
0x38: {  	s10 =	sld [smem:$0x3FB7]  }
0x39: {  	_ = 	snop;
	(pc) =	sbr.ind lr, $3  }
0x3a: {  	_ = 	snop  }
0x3b: {  	_ = 	snop  }
0x3c: {  	p2 =	seq.s32 s10, $0x1;
	s10 =	sld [smem:$0x3FB6]  }
0x3d: {  	_ =	shalt  }
0x3e: {  	_ =	shalt  }
0x3f: {  	_ =	shalt  }
0x40: {  	_ =	shalt  }
0x41: {  	_ =	shalt  }
0x42: {  	_ =	shalt  }
0x43: {  	_ =	shalt  }
0x44: {  	_ =	shalt  }
0x45: {  	_ =	shalt  }
0x46: {  	_ =	shalt  }
0x47: {  	_ =	shalt  }
0x48: {  	_ =	shalt  }
0x49: {  	_ =	shalt  }
0x4a: {  	_ =	shalt  }
0x4b: {  	_ =	shalt  }
0x4c: {  	_ =	shalt  }
0x4d: {  	_ =	shalt  }
0x4e: {  	_ =	shalt  }
0x4f: {  	_ =	shalt  }
0x50: {  	_ =	shalt  }
0x51: {  	_ =	shalt  }
0x52: {  	_ =	shalt  }
0x53: {  	_ =	shalt  }
0x54: {  	_ =	shalt  }
0x55: {  	_ =	shalt  }
0x56: {  	_ =	shalt  }
0x57: {  	_ =	shalt  }
0x58: {  	_ =	shalt  }
0x59: {  	_ =	shalt  }
0x5a: {  	_ =	shalt  }
0x5b: {  	_ =	shalt  }
0x5c: {  	_ =	shalt  }
0x5d: {  	_ =	shalt  }
0x5e: {  	_ =	shalt  }
0x5f: {  	_ =	shalt  }
0x60: {  	_ =	shalt  }
0x61: {  	_ =	shalt  }
0x62: {  	_ =	shalt  }
0x63: {  	_ =	shalt  }
0x64: {  	_ =	shalt  }
0x65: {  	_ =	shalt  }
0x66: {  	_ =	shalt  }
0x67: {  	_ =	shalt  }
0x68: {  	_ =	shalt  }
0x69: {  	_ =	shalt  }
0x6a: {  	_ =	shalt  }
0x6b: {  	_ =	shalt  }
0x6c: {  	_ =	shalt  }
0x6d: {  	_ =	shalt  }
0x6e: {  	_ =	shalt  }
0x6f: {  	_ =	shalt  }
0x70: {  	_ =	shalt  }
0x71: {  	_ =	shalt  }
0x72: {  	_ =	shalt  }
0x73: {  	_ =	shalt  }
0x74: {  	_ =	shalt  }
0x75: {  	_ =	shalt  }
0x76: {  	_ =	shalt  }
0x77: {  	_ =	shalt  }
0x78: {  	_ =	shalt  }
0x79: {  	_ =	shalt  }
0x7a: {  	_ =	shalt  }
0x7b: {  	_ =	shalt  }
0x7c: {  	_ =	shalt  }
0x7d: {  	_ =	shalt  }
0x7e: {  	_ =	shalt  }
0x7f: {  	_ =	shalt  }
0x80: {  	_ =	shalt  }
0x81: {  	_ =	shalt  }
0x82: {  	_ =	shalt  }
0x83: {  	_ =	shalt  }
0x84: {  	_ =	shalt  }
0x85: {  	_ =	shalt  }
0x86: {  	_ =	shalt  }
0x87: {  	_ =	shalt  }
.Lfunc_end0:
.L_simem_size_0:
called_computation_lowered:
.L_overlay_start_0:
0x88: {  	s2 =	sld [smem:$0x3FD9]  }
0x89: {  	s3 =	sld [smem:$0x3FFE];
	_ =	sdelay $0x1  }
0x8a: {  	s1 =	srdreg.scid  }
0x8b: {  	s0 =	sand.u32 $0x1, s1  }
0x8c: {  	s17 =	sshll.u32 s0, $0xA;
	s2 =	sadd.s32 s3, s2  }
0x8d: {  	s2 =	sadd.s32 s2, s17  }
0x8e: {  	[smem:$0x3FC2] =	sst s2  }
0x8f: {  	_ = 	snop  }
0x90: {  	s2 =	sld [smem:$0x3FD0];
	(tm) =	ssettm $0x1  }
0x91: {  	s18 =	sld [smem:$0x3FFB];
	_ =	sdelay $0x3  }
0x92: {  	_ =	strace s18  }
0x93: {  	s3 =	sld [smem:$0x3FFC];
	_ =	sdelay $0x3  }
0x94: {  	_ =	strace s3  }
0x95: {  	s3 =	sld [smem:$0x3FFD];
	_ =	sdelay $0x3  }
0x96: {  	_ =	strace s3  }
0x97: {  	_ =	strace $0x8FFFFFFF  }
0x98: {  	s19 =	sld [smem:$0x3FDB];
	_ =	sdelay $0x1  }
0x99: {  	s4 =	simm.s32 $_scs_section_size  }
0x9a: {  	s5 =	simm.s32 $_size__tile_overlayer_lowered;
	s6 =	simm.s32 $_tile_overlayer_lowered  }
0x9b: {  	s22 =	simm.s32 $0x1BFF;
	s21 =	sshll.u32 s6, $0x1;
	s3 =	sadd.s32 s4, s19  }
0x9c: {  	s7 =	simm.s32 $0x0;
	s20 =	sshll.u32 s5, $0x1;
	s5 =	sadd.s32 s21, s3  }
0x9d: {  	[timem:s7], [sflag:s22] =	dma.local [hbm:s5], s20  }
0x9e: {  	_ =	swait.ge [sflag:s22], s20  }
0x9f: {  	s4 =	ssub.s32 $0x0, s20;
	[sflag:s22] =	ssyncset.done $0x0  }
0xa0: {  	[sflag:s22] =	ssyncadd.s32 s4;
	_ =	sdelay $0x1  }
0xa1: {  	s23 =	simm.s32 $0x1B8B  }
0xa2: {  	_ =	swait.ge [sflag:s23], $0x1  }
0xa3: {  	[sflag:s23] =	ssyncset.done $0x0  }
0xa4: {  	s25 =	simm.s32 $0x1B8E;
	s24 =	sld [smem:$0x3FFE];
	[sflag:s23] =	ssyncadd.s32 $0xFFFFFFFF  }
0xa5: {  	s26 =	simm.s32 $execute0_lowered;
	[smem:$0x3FD2] =	sst s25  }
0xa6: {  	s5 =	sshll.u32 s26, $0x1;
	_ =	strace $0x80000046;
	[dreg:$0x1] =	wrdreg $0xFFFFFFFF  }
0xa7: {  	s28 =	simm.s32 $_size_execute0_lowered;
	s3 =	sadd.s32 s3, s5;
	[dreg:$0x0] =	wrdreg $0x0  }
0xa8: {  	s5 =	sshll.u32 s28, $0x1;
	[dreg:$0x2] =	wrdreg s3  }
0xa9: {  	[dreg:$0x3] =	wrdreg s5  }
0xaa: {  	[dreg:$0x4] =	wrdreg $0xC0  }
0xab: {  	_ =	task [dreg:s7], $0x5FFFF  }
0xac: {  	[dreg:$0x1] =	wrdreg $0xFFFFFFFF  }
0xad: {  	[dreg:$0x0] =	wrdreg $0x60  }
0xae: {  	[dreg:$0x2] =	wrdreg s24  }
0xaf: {  	[dreg:$0x3] =	wrdreg s2  }
0xb0: {  	[dreg:$0x4] =	wrdreg $0x9  }
0xb1: {  	_ =	task.clear_ibuf [dreg:s7], $0x5FFFF;
	_ =	strace $0x90000046  }
0xb2: {  	s29 =	simm.s32 $0x9;
	_ =	strace $0x80000048  }
0xb3: {  	_ =	swait.ge [sflag:s29], $0x1  }
0xb4: {  	[sflag:s29] =	ssyncadd.s32 $0xFFFFFFFF  }
0xb5: {  	_ =	strace $0x90000048  }
0xb6: {  	_ =	sfence  }
0xb7: {  	s30 =	sld [smem:$0x0];
	_ =	sdelay $0x2  }
0xb8: {  	s31 =	sshll.u32 s1, $0xD;
	s1 =	sshrl.u32 s1, $0x2  }
0xb9: {  	s3 =	sand.u32 $0x4000, s31;
	s1 =	sadd.s32 s1, s30  }
0xba: {  	s0 =	sor.u32 s3, s0;
	s1 =	sshll.u32 s1, $0x11  }
0xbb: {  	s0 =	sor.u32 s1, s0  }
0xbc: {  	s0 =	sadd.s32 $0x8F2B, s0  }
0xbd: {  	[sflag:s0] =	ssyncadd.remote.s32 $0x1  }
0xbe: {  	_ =	sfence.sel $0xFFFF  }
0xbf: {  	[dreg:$0x0] =	wrdreg $0xFFFFFFFF;
	(pc) =	sbr.abs _section_cstart, $3  }
0xc0: {  	[dreg:$0x1] =	wrdreg $0xFFFFFFFF  }
0xc1: {  	_ =	task.clear_ibuf [dreg:s7], $0x2FFFF;
	_ =	strace $0x9FFFFFFF  }
0xc2: {  	(tm) =	ssettm $0x7FFFFFFF  }
0xc3: {  	_ =	shalt  }
tec
execute0_lowered:
.L_overlay_start_1:
0x0: {  	(tag) =	ssettag $0x1  }
0x1: {  	s8 =	rddreg [dreg:$0x0]  }
0x2: {  	s2 =	rddreg [dreg:$0x1];
	s3 =	simm.s32 $0x0;
	s4 =	srdreg.scid  }
0x3: {  	s1 =	stileid.u32;
	s14 =	simm.s32 $0x1200;
	s15 =	simm.s32 $0x2  }
0x4: {  	s16 =	simm.s32 $0x3C80;
	s17 =	simm.s32 $0x3;
	s18 =	simm.s32 $0x0  }
0x5: {  	[smem:$0x7FF] =	sst s3;
	s5 =	sand.u32 $0x1, s4;
	s30 =	sshll.u32 s1, $0x1  }
0x6: {  	s4 =	sadd.s32 $0xF400, s8;
	s6 =	sadd.s32 $0x5400, s8;
	s7 =	sadd.s32 $0x400, s8  }
0x7: {  	_ =	strace $0x80000047;
	s9 =	sor.u32 s5, s30;
	s11 =	ssub.s32 $0x2, s5  }
0x8: {  	s5 =	sadd.s32 $0xA400, s8;
	s10 =	smul.u32 $0x2800, s9;
	s12 =	sshrl.u32 s11, $0x1  }
0x9: {  	s13 =	smul.u32 $0x140, s9;
	s31 =	ssub.s32 s11, s12;
	s11 =	simm.s32 $0x900  }
0xa: {  	v1 =	vimm.f32 $0.0e+00;
	v2 =	vimm.s32 $0x0;
	s12 =	simm.s32 $0xD80;
	s8 =	sadd.s32 s10, s8;
	s9 =	smax.u32 s31, $0x1  }
0xb: {  	v3 =	vlaneseq.u32;
	v4 =	vimm.s32 $0x400;
	s10 =	simm.s32 $0x480;
	v0 =	vmov s13;
	s13 =	simm.s32 $0x1;
	s8 =	sadd.s32 $0x14F400, s8  }
.LBB2_1:
0xc: {  	s19 =	simm.s32 $0x0  }
0xd: {  	s20 =	sand.u32 $0x400, s3;
	s21 =	simm.s32 $0x0;
	s19 =	sand.u32 $0x1F800, s19  }
0xe: {  	s21 =	sand.u32 $0x380, s21;
	s19 =	sor.u32 s20, s19  }
0xf: {  	s20 =	sor.u32 s21, s19  }
0x10: {  	[tilespmem:s20+$0x3CF0] =	vst v1  }
0x11: {  	[tilespmem:s20+$0x3C80] =	vst v1  }
0x12: {  	s22 =	simm.s32 $0x0;
	s21 =	simm.s32 $0x0;
	[tilespmem:s20+$0x3C90] =	vst v1  }
.LBB2_2:
0x13: {  	s21 =	sadd.s32 $0x8, s21;
	[tilespmem:s20+$0x3CA0] =	vst v1  }
0x14: {  	s22 =	sadd.s32 $0x400, s22;
	s19 =	sshll.u32 s21, $0x4;
	p0 =	slt.u32 s21, $0x13F8;
	[tilespmem:s20+$0x3CB0] =	vst v1  }
0x15: {  	s23 =	sand.u32 $0x400, s22;
	s24 =	sshll.u32 s21, $0x3;
	s19 =	sand.u32 $0x1F800, s19;
	[tilespmem:s20+$0x3CC0] =	vst v1  }
.Ltmp0:
0x16: {  	s24 =	sand.u32 $0x380, s24;
	s19 =	sor.u32 s23, s19;
	[tilespmem:s20+$0x3CD0] =	vst v1;
	(pc) =	sbr.rel @p0 .LBB2_2-.Ltmp0, $4  }
0x17: {  	[tilespmem:s20+$0x3CE0] =	vst v1;
	s20 =	sor.u32 s24, s19  }
0x18: {  	s19 =	simm.s32 $0x0;
	[tilespmem:s20+$0x3CF0] =	vst v1  }
0x19: {  	[tilespmem:s20+$0x3C80] =	vst v1  }
0x1a: {  	[tilespmem:s20+$0x3C90] =	vst v1  }
.Ltmp1:
0x1b: {  	[tilespmem:s20+$0x3CA0] =	vst v1;
	(pc) =	sbr.rel .LBB2_4-.Ltmp1, $4  }
0x1c: {  	[tilespmem:s20+$0x3CB0] =	vst v1  }
0x1d: {  	[tilespmem:s20+$0x3CC0] =	vst v1  }
0x1e: {  	[tilespmem:s20+$0x3CD0] =	vst v1  }
0x1f: {  	[tilespmem:s20+$0x3CE0] =	vst v1;
	s20 =	simm.s32 $0x0  }
.LBB2_12:
0x20: {  	s20 =	sadd.s32 $0x1, s20  }
0x21: {  	p0 =	sne.s32 s20, $0xA0  }
.Ltmp2:
0x22: {  	_ = 	snop;
	(pc) =	sbr.rel @!p0 .LBB2_13-.Ltmp2, $1  }
0x23: {  	_ =	sdelay $0x3  }
.LBB2_4:
0x24: {  	s21 =	sshll.u32 s20, $0x7  }
0x25: {  	s22 =	sadd.s32 s5, s21  }
0x26: {  	[tilespmem:s19], [sflag:$0x1] =	stream.linear.gather [hbm4b:s22+s19], $0x400, $0x38;
	[tilespmem:$0x17C80] =	vst v63  }
0x27: {  	s23 =	sadd.s32 s6, s21  }
0x28: {  	[tilespmem:s10], [sflag:$0x1] =	stream.linear.gather [hbm4b:s23+s19], $0x400, $0x38;
	[tilespmem:$0x17C80] =	vst v63  }
0x29: {  	s24 =	sadd.s32 s2, s21  }
0x2a: {  	[tilespmem:s11], [sflag:$0x1] =	stream.linear.gather [hbm4b:s24+s19], $0x400, $0x38;
	[tilespmem:$0x17C80] =	vst v63  }
0x2b: {  	s21 =	sadd.s32 s7, s21  }
0x2c: {  	[tilespmem:s12], [sflag:$0x1] =	stream.linear.gather [hbm4b:s21+s19], $0x400, $0x38;
	[tilespmem:$0x17C80] =	vst v63  }
0x2d: {  	_ =	swait.ge [sflag:s13], $0x400  }
0x2e: {  	[sflag:s13] =	ssyncset.done $0x0  }
0x2f: {  	[sflag:s13] =	ssyncadd.s32 $0xFFFFFC00  }
0x30: {  	_ =	swait.ge [sflag:s13], $0x400  }
0x31: {  	[sflag:s13] =	ssyncset.done $0x0  }
0x32: {  	[sflag:s13] =	ssyncadd.s32 $0xFFFFFC00  }
0x33: {  	_ =	swait.ge [sflag:s13], $0x400  }
0x34: {  	[sflag:s13] =	ssyncset.done $0x0  }
0x35: {  	[sflag:s13] =	ssyncadd.s32 $0xFFFFFC00  }
0x36: {  	_ =	swait.ge [sflag:s13], $0x400  }
0x37: {  	[sflag:s13] =	ssyncset.done $0x0  }
0x38: {  	[sflag:s13] =	ssyncadd.s32 $0xFFFFFC00  }
0x39: {  	[tilespmem:$0x400] =	vst v2  }
0x3a: {  	[tilespmem:$0x880] =	vst v2  }
0x3b: {  	[tilespmem:$0xD00] =	vst v0  }
0x3c: {  	s25 =	simm.s32 $0x920;
	[tilespmem:$0x1180] =	vst v1  }
0x3d: {  	v5 =	vld [tilespmem:s25+$0xFFFFFFE0]  }
0x3e: {  	v6 =	vld [tilespmem:s25+$0xFFFFFFF0]  }
0x3f: {  	v7 =	vld [tilespmem:s25+$0x0]  }
0x40: {  	v8 =	vld [tilespmem:s25+$0x10];
	_ =	sdelay $0x1  }
0x41: {  	v5 =	vsub.s32 v5, v0  }
0x42: {  	vm0 =	vlt.u32 v5, $0x140;
	v5 =	vsub.s32 v6, v0  }
0x43: {  	v6 =	vsel vm0, $0x1, v2;
	vm1 =	vlt.u32 v5, $0x140;
	v5 =	vsub.s32 v7, v0  }
0x44: {  	v7 =	vsel vm1, $0x1, v2;
	vm4 =	vlt.u32 v5, $0x140;
	v5 =	vsub.s32 v8, v0;
	(xrf0) =	vadd.scan.msk.s32 $0xffff, v6  }
0x45: {  	v6 =	vsel vm4, $0x1, v2;
	vm5 =	vlt.u32 v5, $0x140;
	(xrf0) =	vadd.scan.msk.s32 $0xffff, v7  }
0x46: {  	v5 =	vsel vm5, $0x1, v2;
	(xrf0) =	vadd.scan.msk.s32 $0xffff, v6  }
0x47: {  	(xrf0) =	vadd.scan.msk.s32 $0xffff, v5;
	_ =	sdelay $0x2  }
0x48: {  	v8, _, _ =	vpop (xrf0)  }
0x49: {  	s26 =	simm.s32 $0x960;
	(v2sf) =	vpush v8, $0xF;
	v6, _, _ =	vpop (xrf0)  }
0x4a: {  	v9 =	vld [tilespmem:s26+$0xFFFFFFE0];
	(v2sf) =	vpush v6, $0xF;
	v5, _, _ =	vpop (xrf0)  }
0x4b: {  	v10 =	vld [tilespmem:s26+$0xFFFFFFF0];
	(v2sf) =	vpush v5, $0xF;
	v7, _, _ =	vpop (xrf0)  }
0x4c: {  	v11 =	vld [tilespmem:s26+$0x0];
	(v2sf) =	vpush v7, $0xF  }
0x4d: {  	v12 =	vld [tilespmem:s26+$0x10];
	_ =	sdelay $0x1  }
0x4e: {  	v9 =	vsub.s32 v9, v0  }
0x4f: {  	s23 =	simm.s32 $0x9A0;
	vm2 =	vlt.u32 v9, $0x140;
	v9 =	vsub.s32 v10, v0  }
0x50: {  	v18 =	vld [tilespmem:s23+$0xFFFFFFE0];
	v10 =	vsel vm2, $0x1, v2;
	vm3 =	vlt.u32 v9, $0x140;
	v9 =	vsub.s32 v11, v0  }
0x51: {  	v11 =	vsel vm3, $0x1, v2;
	vm8 =	vlt.u32 v9, $0x140;
	v9 =	vsub.s32 v12, v0;
	(xrf0) =	vadd.scan.msk.s32 $0xffff, v10  }
0x52: {  	vm9 =	vlt.u32 v9, $0x140;
	v9 =	vmov s19;
	v10 =	vsel vm8, $0x1, v2;
	(xrf0) =	vadd.scan.msk.s32 $0xffff, v11  }
0x53: {  	v9 =	vadd.s32 $0xFFFFFFFF, v9;
	v11 =	vsel vm9, $0x1, v2;
	(xrf0) =	vadd.scan.msk.s32 $0xffff, v10  }
0x54: {  	v17 =	vor.u32 s19, v3;
	v9 =	vbroadcast v9, $0x0;
	(xrf0) =	vadd.scan.msk.s32 $0xffff, v11  }
0x55: {  	v19 =	vsub.s32 v18, v0;
	vm7 =	vmmov vm0;
	vm6 =	vmmov vm1  }
0x56: {  	vm4 =	vmmov vm4;
	vm10 =	vmmov vm5;
	v16 =	vadd.s32 v8, v9  }
0x57: {  	vm1 =	vmmov vm4;
	vm5 =	vmmov vm8;
	vm4 =	vmmov vm9;
	v10, _, _ =	vpop (xrf0);
	s28 =	spop (v2sf)  }
0x58: {  	v14 =	vld [tilespmem:s23+$0xFFFFFFF0];
	vm0 =	vmmov vm10;
	vm1 =	vmmov vm1;
	(v2sf) =	vpush v10, $0xF;
	v9, _, _ =	vpop (xrf0);
	s21 =	sadd.s32 $0x0, s28;
	s29 =	spop (v2sf)  }
0x59: {  	vm0 =	vmmov vm0;
	v8, _, _ =	vpop (xrf0);
	(v2sf) =	vpush v9, $0xF;
	v12 =	vmov s21;
	s21 =	sadd.s32 s21, s29;
	s30 =	spop (v2sf)  }
0x5a: {  	v15 =	vld [tilespmem:s23+$0x0];
	v11, _, _ =	vpop (xrf0);
	(v2sf) =	vpush v8, $0xF;
	v12 =	vadd.s32 $0xFFFFFFFF, v12;
	v13 =	vmov s21;
	s21 =	sadd.s32 s21, s30;
	s31 =	spop (v2sf)  }
0x5b: {  	[tilespmem:v16+s14+$0x0] =	vst.idx.msk vm7, v17;
	v17 =	vld [tilespmem:s23+$0x10];
	(v2sf) =	vpush v11, $0xF;
	v12 =	vbroadcast v12, $0x0;
	v20 =	vmov s21;
	s24 =	sadd.s32 s21, s31  }
0x5c: {  	s22 =	simm.s32 $0x0;
	s25 =	simm.s32 $0x8;
	v13 =	vadd.s32 $0xFFFFFFFF, v13;
	s21 =	simm.s32 $0x0;
	v18 =	vmov s24;
	v16 =	vadd.s32 $0xFFFFFFFF, v20  }
.LBB2_5:
0x5d: {  	v14 =	vsub.s32 v14, v0;
	v18 =	vadd.s32 $0xFFFFFFFF, v18;
	vm7 =	vmmov vm2  }
0x5e: {  	s25 =	sadd.s32 $0x4, s25;
	vm2 =	vlt.u32 v19, $0x140;
	vm8 =	vmmov vm6;
	vm6 =	vmmov vm3  }
0x5f: {  	p0 =	slt.u32 s25, $0x3C;
	v19 =	vsel vm2, $0x1, v2;
	vm3 =	vlt.u32 v14, $0x140;
	v14 =	vsub.s32 v15, v0  }
0x60: {  	v15 =	vsel vm3, $0x1, v2;
	vm10 =	vlt.u32 v14, $0x140;
	v14 =	vsub.s32 v17, v0;
	(xrf0) =	vadd.scan.msk.s32 $0xffff, v19  }
0x61: {  	v17 =	vsel vm10, $0x1, v2;
	vm11 =	vlt.u32 v14, $0x140;
	(xrf0) =	vadd.scan.msk.s32 $0xffff, v15;
	v14 =	vbroadcast v16, $0x0  }
0x62: {  	v13 =	vbroadcast v13, $0x0;
	v16 =	vbroadcast v18, $0x0;
	v15 =	vsel vm11, $0x1, v2;
	(xrf0) =	vadd.scan.msk.s32 $0xffff, v17  }
0x63: {  	v12 =	vadd.s32 v6, v12;
	v6 =	vmovc v9;
	(xrf0) =	vadd.scan.msk.s32 $0xffff, v15;
	v15 =	vadd.s32 v7, v14;
	v7 =	vmov v11  }
0x64: {  	vm9 =	vmmov vm5;
	v13 =	vadd.s32 v5, v13;
	v5 =	vmovc v8;
	v16 =	vadd.s32 v10, v16  }
0x65: {  	s22 =	sadd.s32 $0x40, s22;
	vm5 =	vmmov vm10;
	vm10 =	vmmov vm4;
	vm4 =	vmmov vm11  }
0x66: {  	s23 =	sadd.s32 $0x40, s23;
	s26 =	sadd.s32 $0x10, s21;
	s28 =	sadd.s32 $0x30, s21;
	v18 =	vor.u32 s22, v3;
	v10, _, _ =	vpop (xrf0)  }
0x67: {  	v20 =	vor.u32 s26, v3;
	s26 =	sadd.s32 $0x20, s21;
	v21 =	vor.u32 s28, v3;
	s21 =	smov.u32 s22;
	v19 =	vld [tilespmem:s23+$0xFFFFFFE0];
	(v2sf) =	vpush v10, $0xF;
	v9, _, _ =	vpop (xrf0);
	s29 =	spop (v2sf)  }
.Ltmp3:
0x68: {  	v17 =	vor.u32 s26, v3;
	v14 =	vld [tilespmem:s23+$0xFFFFFFF0];
	(v2sf) =	vpush v9, $0xF;
	v8, _, _ =	vpop (xrf0);
	s24 =	sadd.s32 s24, s29;
	s28 =	spop (v2sf);
	[tilespmem:v15+s14+$0x0] =	vst.idx.msk vm0, v21;
	vm0 =	vmmov vm10;
	(pc) =	sbr.rel @p0 .LBB2_5-.Ltmp3, $4  }
0x69: {  	v15 =	vld [tilespmem:s23+$0x0];
	(v2sf) =	vpush v8, $0xF;
	v11, _, _ =	vpop (xrf0);
	v21 =	vmov s24;
	s24 =	sadd.s32 s24, s28;
	s26 =	spop (v2sf);
	[tilespmem:v13+s14+$0x0] =	vst.idx.msk vm1, v17;
	vm1 =	vmmov vm9  }
0x6a: {  	v17 =	vld [tilespmem:s23+$0x10];
	(v2sf) =	vpush v11, $0xF;
	v13 =	vadd.s32 $0xFFFFFFFF, v21;
	v21 =	vmov s24;
	s24 =	sadd.s32 s24, s26;
	s26 =	spop (v2sf);
	[tilespmem:v12+s14+$0x0] =	vst.idx.msk vm8, v20  }
0x6b: {  	[tilespmem:v16+s14+$0x0] =	vst.idx.msk vm7, v18;
	v12 =	vbroadcast v13, $0x0;
	v13 =	vadd.s32 $0xFFFFFFFF, v21;
	v16 =	vmov s24;
	s24 =	sadd.s32 s24, s26  }
0x6c: {  	v19 =	vsub.s32 v19, v0;
	v18 =	vmov s24;
	v16 =	vadd.s32 $0xFFFFFFFF, v16  }
0x6d: {  	vm8 =	vlt.u32 v19, $0x140;
	v14 =	vsub.s32 v14, v0  }
0x6e: {  	v19 =	vsel vm8, $0x1, v2;
	vm7 =	vlt.u32 v14, $0x140;
	v43 =	vsub.s32 v15, v0  }
0x6f: {  	v44 =	vsel vm7, $0x1, v2;
	vm10 =	vlt.u32 v43, $0x140;
	(xrf0) =	vadd.scan.msk.s32 $0xffff, v19  }
0x70: {  	v45 =	vsub.s32 v17, v0;
	v14 =	vsel vm10, $0x1, v2;
	(xrf0) =	vadd.scan.msk.s32 $0xffff, v44  }
0x71: {  	vm11 =	vlt.u32 v45, $0x140;
	(xrf0) =	vadd.scan.msk.s32 $0xffff, v14  }
0x72: {  	v46 =	vsel vm11, $0x1, v2  }
0x73: {  	(xrf0) =	vadd.scan.msk.s32 $0xffff, v46;
	_ =	sdelay $0x1  }
0x74: {  	v47, _, _ =	vpop (xrf0)  }
0x75: {  	(v2sf) =	vpush v47, $0xF;
	v48, _, _ =	vpop (xrf0)  }
0x76: {  	(v2sf) =	vpush v48, $0xF;
	v49, _, _ =	vpop (xrf0)  }
0x77: {  	(v2sf) =	vpush v49, $0xF  }
0x78: {  	v50, _, _ =	vpop (xrf0)  }
0x79: {  	(v2sf) =	vpush v50, $0xF  }
0x7a: {  	v18 =	vadd.s32 $0xFFFFFFFF, v18  }
0x7b: {  	vm2 =	vmmov vm2;
	v16 =	vbroadcast v16, $0x0;
	vm6 =	vmmov vm6  }
0x7c: {  	vm9 =	vmmov vm3;
	v13 =	vbroadcast v13, $0x0;
	v6 =	vadd.s32 v6, v12  }
0x7d: {  	vm3 =	vmmov vm5;
	s22 =	sadd.s32 $0x40, s22;
	vm4 =	vmmov vm4;
	s28 =	sadd.s32 $0x10, s21;
	s29 =	sadd.s32 $0x30, s21;
	v18 =	vbroadcast v18, $0x0  }
0x7e: {  	s30 =	sadd.s32 $0x20, s21;
	v52 =	vor.u32 s22, v3;
	v20 =	vor.u32 s28, v3;
	v56 =	vor.u32 s29, v3;
	s23 =	spop (v2sf)  }
0x7f: {  	v57 =	vor.u32 s30, v3;
	vm12 =	vmmov vm4;
	vm5 =	vmmov vm3;
	s25 =	spop (v2sf);
	s23 =	sadd.s32 s24, s23  }
0x80: {  	vm3 =	vmmov vm8;
	vm4 =	vmmov vm9;
	v7 =	vadd.s32 v7, v16;
	s0 =	spop (v2sf);
	s25 =	sadd.s32 s23, s25  }
0x81: {  	v5 =	vadd.s32 v5, v13;
	v10 =	vadd.s32 v10, v18;
	v51 =	vmov s23;
	s24 =	sadd.s32 s25, s0;
	s26 =	spop (v2sf)  }
0x82: {  	vm10 =	vmmov vm10;
	v12 =	vadd.s32 $0xFFFFFFFF, v51;
	v53 =	vmov s24;
	s23 =	sadd.s32 s24, s26  }
0x83: {  	v12 =	vbroadcast v12, $0x0;
	v54 =	vmov s23;
	v16 =	vadd.s32 $0xFFFFFFFF, v53  }
0x84: {  	v55 =	vmov s25;
	v18 =	vadd.s32 $0xFFFFFFFF, v54;
	v16 =	vbroadcast v16, $0x0;
	s31 =	spop (v2sf)  }
0x85: {  	v9 =	vadd.s32 v9, v12;
	v12 =	vadd.s32 $0xFFFFFFFF, v55;
	v18 =	vbroadcast v18, $0x0;
	s0 =	sadd.s32 s23, s31;
	s26 =	spop (v2sf)  }
0x86: {  	vm11 =	vmmov vm11;
	vm8 =	vmmov vm10;
	v12 =	vbroadcast v12, $0x0;
	s23 =	sadd.s32 s0, s26;
	s28 =	spop (v2sf)  }
0x87: {  	v11 =	vadd.s32 v11, v16;
	v14 =	vadd.s32 v47, v18;
	s24 =	sadd.s32 s23, s28;
	v59 =	vmov s23  }
0x88: {  	[tilespmem:v6+s14+$0x0] =	vst.idx.msk vm6, v20;
	v8 =	vadd.s32 v8, v12;
	s30 =	spop (v2sf);
	v58 =	vmov s24;
	v16 =	vadd.s32 $0xFFFFFFFF, v59  }
0x89: {  	s29 =	sadd.s32 $0x30, s22;
	[tilespmem:v5+s14+$0x0] =	vst.idx.msk vm1, v57;
	v5 =	vmov s0;
	s23 =	sadd.s32 s24, s30;
	v12 =	vadd.s32 $0xFFFFFFFF, v58;
	v6 =	vbroadcast v16, $0x0  }
0x8a: {  	vm9 =	vmmov vm11;
	[tilespmem:v7+s14+$0x0] =	vst.idx.msk vm0, v56;
	s31 =	sadd.s32 $0x40, s22;
	s0 =	sadd.s32 $0x10, s22;
	v5 =	vadd.s32 $0xFFFFFFFF, v5;
	s24 =	sadd.s32 $0xF, s23;
	v12 =	vbroadcast v12, $0x0  }
0x8b: {  	v7 =	vor.u32 s29, v3;
	[tilespmem:v10+s14+$0x0] =	vst.idx.msk vm2, v52;
	s22 =	sadd.s32 $0x20, s22;
	s29 =	sadd.s32 $0x30, s31;
	v5 =	vbroadcast v5, $0x0;
	s26 =	sand.u32 $0xF, s24;
	v6 =	vadd.s32 v49, v6  }
0x8c: {  	vm7 =	vmmov vm7;
	[tilespmem:v11+s14+$0x0] =	vst.idx.msk vm12, v7;
	v62 =	vor.u32 s31, v3;
	s28 =	sshra.s32 s24, $0x1F;
	p0 =	slt.s32 s24, $0x1;
	p1 =	sne.s32 s26, $0x0;
	v60 =	vadd.s32 v50, v12  }
0x8d: {  	v61 =	vor.u32 s22, v3;
	[tilespmem:v14+s14+$0x0] =	vst.idx.msk vm3, v62;
	s30 =	sadd.s32 $0x20, s31;
	v5 =	vadd.s32 v48, v5;
	s22 =	sshrl.u32 s28, $0x1C;
	p0 =	por !p0, !p1  }
0x8e: {  	v7 =	vor.u32 s0, v3;
	[tilespmem:v8+s14+$0x0] =	vst.idx.msk vm5, v61;
	s22 =	sadd.s32 s22, s24;
	s24 =	simm.s32 $0x1;
	p0 =	por !p0, !p0  }
.Ltmp4:
0x8f: {  	[tilespmem:v9+s14+$0x0] =	vst.idx.msk vm4, v7;
	v63 =	vor.u32 s30, v3;
	s22 =	sshra.s32 s22, $0x4;
	s24 =	simm.s32 @!p0 $0x0;
	(pc) =	sbr.rel .LBB2_7-.Ltmp4, $4  }
0x90: {  	v7 =	vor.u32 s29, v3;
	s31 =	sadd.s32 $0x10, s31;
	s21 =	ssub.s32 s22, s24;
	[tilespmem:v6+s14+$0x0] =	vst.idx.msk vm8, v63  }
0x91: {  	p0 =	sgt.s32 s21, $0x1;
	[tilespmem:v60+s14+$0x0] =	vst.idx.msk vm9, v7;
	v7 =	vor.u32 s31, v3  }
0x92: {  	s21 =	simm.s32 @!p0 $0x1;
	[tilespmem:v5+s14+$0x0] =	vst.idx.msk vm7, v7  }
0x93: {  	vm15 =	vmmov vm7;
	vm14 =	vmmov vm8;
	vm13 =	vmmov vm9;
	s24 =	simm.s32 $0x0;
	s22 =	sadd.s32 $0x3, s21;
	[tilespmem:s23+$0x1200] =	vst v4;
	s23 =	simm.s32 $0x0  }
.LBB2_10:
0x94: {  	v8 =	vadd.f32 v10, v8  }
0x95: {  	v9 =	vadd.f32 v11, v9  }
0x96: {  	[tilespmem:s31+$0x3CE0] =	vst v8  }
0x97: {  	[tilespmem:s31+$0x40E0] =	vst v9  }
0x98: {  	v8 =	vld [tilespmem:s26+$0x70];
	_ =	sdelay $0x4  }
0x99: {  	v63 =	vshll.u32 v8, $0x10  }
0x9a: {  	v8 =	vand.u32 $0xFFFF0000, v8;
	v9 =	vmul.f32 v63, v5  }
0x9b: {  	v5 =	vmul.f32 v8, v5  }
0x9c: {  	v6 =	vadd.f32 v9, v6  }
0x9d: {  	v5 =	vadd.f32 v5, v7  }
0x9e: {  	[tilespmem:s31+$0x3CF0] =	vst v6  }
0x9f: {  	[tilespmem:s31+$0x40F0] =	vst v5  }
.LBB2_11:
0xa0: {  	p0 =	sge.u32 s24, s21  }
0xa1: {  	s0 =	sshll.u32 @!p0 s24, $0x6  }
0xa2: {  	s0 =	sshra.s32 @!p0 s0, $0x2  }
0xa3: {  	v5 =	vld @!p0 [tilespmem:s0+$0x1200];
	_ =	sdelay $0x6  }
0xa4: {  	s0 =	simm.s32 @!p0 $0x480  }
0xa5: {  	v6 =	vld.idx.msk @!p0 [tilespmem:v5+s0+$0x0], $0xffff  }
0xa6: {  	s0 =	simm.s32 @!p0 $0x0  }
0xa7: {  	v7 =	vld.idx.msk @!p0 [tilespmem:v5+s0+$0x0], $0xffff;
	_ =	sdelay $0x2  }
0xa8: {  	v6 =	vmul.u32 @!p0 $0x2800, v6  }
0xa9: {  	s0 =	sand.u32 @!p0 $0x3, s24  }
0xaa: {  	s25 =	sshll.u32 @!p0 s0, $0x7;
	v6 =	vadd.s32 @!p0 v7, v6  }
0xab: {  	s26 =	simm.s32 @!p0 $0x900;
	[tilespmem:s25+$0x1680] =	vst @!p0 v6  }
0xac: {  	v6 =	vld.idx.msk @!p0 [tilespmem:v5+s26+$0x0], $0xffff;
	_ =	sdelay $0x4  }
0xad: {  	v6 =	vsub.s32 @!p0 v6, v0  }
0xae: {  	s26 =	simm.s32 @!p0 $0xD80;
	[tilespmem:s25+$0x1880] =	vst @!p0 v6  }
0xaf: {  	v5 =	vld.idx.msk @!p0 [tilespmem:v5+s26+$0x0], $0xffff;
	_ =	sdelay $0x3  }
0xb0: {  	s0 =	sshll.u32 @!p0 s0, $0xB  }
0xb1: {  	s0 =	sadd.s32 @!p0 $0x1C80, s0;
	s26 =	sadd.s32 @!p0 $0x1680, s25;
	[tilespmem:s25+$0x1A80] =	vst @!p0 v5;
	s25 =	simm.s32 @!p0 $0x10  }
0xb2: {  	[tilespmem:s0], [sflag:$0x2] =	stream.indirect.gather @!p0 [hbm4b:s4+s25], $0x80, s26, s25, $0xb8;
	[tilespmem:$0x17C80] =	vst v63  }
0xb3: {  	p0 =	sne.s32 s24, s22  }
.Ltmp5:
0xb4: {  	_ = 	snop;
	(pc) =	sbr.rel @!p0 .LBB2_12-.Ltmp5, $3  }
0xb5: {  	_ =	sdelay $0x1  }
0xb6: {  	s31 =	sadd.s32 $0x1, s24  }
0xb7: {  	s23 =	sadd.s32 $0x1, s23;
	s24 =	smov.u32 s31  }
.LBB2_7:
0xb8: {  	p0 =	slt.u32 s24, $0x4  }
.Ltmp6:
0xb9: {  	_ = 	snop;
	(pc) =	sbr.rel @p0 .LBB2_11-.Ltmp6, $1  }
0xba: {  	_ =	sdelay $0x3  }
0xbb: {  	s26 =	sand.u32 $0x3, s23;
	_ =	swait.ge [sflag:s15], $0x800  }
0xbc: {  	s28 =	sshll.u32 s26, $0x7;
	[sflag:s15] =	ssyncset.done $0x0  }
0xbd: {  	s25 =	sadd.s32 $0x1881, s28;
	[sflag:s15] =	ssyncadd.s32 $0xFFFFF800  }
0xbe: {  	v5 =	vld [tilespmem:s25+$0xFFFFFFFF];
	_ =	sdelay $0x4  }
0xbf: {  	(v2sf) =	vpush v5, $0x0;
	_ =	sdelay $0xd  }
0xc0: {  	s26 =	sshll.u32 s26, $0xB  }
0xc1: {  	s26 =	sadd.s32 $0x1D00, s26;
	s29 =	spop (v2sf)  }
0xc2: {  	s28 =	sadd.s32 $0x1A81, s28;
	v5 =	vld [tilespmem:s26+$0xFFFFFF80];
	s30 =	sshll.u32 s29, $0x8;
	s29 =	sshll.u32 s29, $0x7  }
0xc3: {  	v6 =	vld.msk [tilespmem:s28+$0xFFFFFFFF ss:$0x0], $0xffff;
	s30 =	sand.u32 $0xFFFFF800, s30;
	s29 =	sand.u32 $0x380, s29  }
0xc4: {  	s29 =	sor.u32 s29, s30  }
0xc5: {  	v7 =	vld [tilespmem:s29+$0x3C80]  }
0xc6: {  	v8 =	vld [tilespmem:s29+$0x4080]  }
0xc7: {  	v9 =	vshll.u32 v5, $0x10  }
0xc8: {  	v5 =	vand.u32 $0xFFFF0000, v5;
	v9 =	vmul.f32 v9, v6  }
0xc9: {  	v5 =	vmul.f32 v5, v6  }
0xca: {  	v7 =	vadd.f32 v9, v7  }
0xcb: {  	v5 =	vadd.f32 v5, v8  }
0xcc: {  	[tilespmem:s29+$0x3C80] =	vst v7  }
0xcd: {  	[tilespmem:s29+$0x4080] =	vst v5  }
0xce: {  	v5 =	vld [tilespmem:s26+$0xFFFFFF90];
	_ =	sdelay $0x2  }
0xcf: {  	v7 =	vld [tilespmem:s29+$0x3C90]  }
0xd0: {  	v8 =	vld [tilespmem:s29+$0x4090]  }
0xd1: {  	v9 =	vshll.u32 v5, $0x10  }
0xd2: {  	v5 =	vand.u32 $0xFFFF0000, v5;
	v9 =	vmul.f32 v9, v6  }
0xd3: {  	v5 =	vmul.f32 v5, v6  }
0xd4: {  	v7 =	vadd.f32 v9, v7  }
0xd5: {  	v5 =	vadd.f32 v5, v8  }
0xd6: {  	[tilespmem:s29+$0x3C90] =	vst v7  }
0xd7: {  	[tilespmem:s29+$0x4090] =	vst v5  }
0xd8: {  	v5 =	vld [tilespmem:s26+$0xFFFFFFA0];
	_ =	sdelay $0x2  }
0xd9: {  	v7 =	vld [tilespmem:s29+$0x3CA0]  }
0xda: {  	v8 =	vld [tilespmem:s29+$0x40A0]  }
0xdb: {  	v9 =	vshll.u32 v5, $0x10  }
0xdc: {  	v5 =	vand.u32 $0xFFFF0000, v5;
	v9 =	vmul.f32 v9, v6  }
0xdd: {  	v5 =	vmul.f32 v5, v6  }
0xde: {  	v7 =	vadd.f32 v9, v7  }
0xdf: {  	v5 =	vadd.f32 v5, v8  }
0xe0: {  	[tilespmem:s29+$0x3CA0] =	vst v7  }
0xe1: {  	[tilespmem:s29+$0x40A0] =	vst v5  }
0xe2: {  	v5 =	vld [tilespmem:s26+$0xFFFFFFB0];
	_ =	sdelay $0x2  }
0xe3: {  	v7 =	vld [tilespmem:s29+$0x3CB0]  }
0xe4: {  	v8 =	vld [tilespmem:s29+$0x40B0]  }
0xe5: {  	v9 =	vshll.u32 v5, $0x10  }
0xe6: {  	v5 =	vand.u32 $0xFFFF0000, v5;
	v9 =	vmul.f32 v9, v6  }
0xe7: {  	v5 =	vmul.f32 v5, v6  }
0xe8: {  	v7 =	vadd.f32 v9, v7  }
0xe9: {  	v5 =	vadd.f32 v5, v8  }
0xea: {  	[tilespmem:s29+$0x3CB0] =	vst v7  }
0xeb: {  	[tilespmem:s29+$0x40B0] =	vst v5  }
0xec: {  	v5 =	vld [tilespmem:s26+$0xFFFFFFC0];
	_ =	sdelay $0x2  }
0xed: {  	v7 =	vld [tilespmem:s29+$0x3CC0]  }
0xee: {  	v8 =	vld [tilespmem:s29+$0x40C0]  }
0xef: {  	v9 =	vshll.u32 v5, $0x10  }
0xf0: {  	v5 =	vand.u32 $0xFFFF0000, v5;
	v9 =	vmul.f32 v9, v6  }
0xf1: {  	v5 =	vmul.f32 v5, v6  }
0xf2: {  	v7 =	vadd.f32 v9, v7  }
0xf3: {  	v5 =	vadd.f32 v5, v8  }
0xf4: {  	[tilespmem:s29+$0x3CC0] =	vst v7  }
0xf5: {  	[tilespmem:s29+$0x40C0] =	vst v5  }
0xf6: {  	v5 =	vld [tilespmem:s26+$0xFFFFFFD0];
	_ =	sdelay $0x2  }
0xf7: {  	v7 =	vld [tilespmem:s29+$0x3CD0]  }
0xf8: {  	v8 =	vld [tilespmem:s29+$0x40D0]  }
0xf9: {  	v9 =	vshll.u32 v5, $0x10  }
0xfa: {  	v5 =	vand.u32 $0xFFFF0000, v5;
	v9 =	vmul.f32 v9, v6  }
0xfb: {  	v5 =	vmul.f32 v5, v6  }
0xfc: {  	v7 =	vadd.f32 v9, v7  }
0xfd: {  	v5 =	vadd.f32 v5, v8  }
0xfe: {  	[tilespmem:s29+$0x3CD0] =	vst v7  }
0xff: {  	[tilespmem:s29+$0x40D0] =	vst v5  }
0x100: {  	v5 =	vld [tilespmem:s26+$0xFFFFFFE0];
	_ =	sdelay $0x2  }
0x101: {  	v7 =	vld [tilespmem:s29+$0x3CE0]  }
0x102: {  	v8 =	vld [tilespmem:s29+$0x40E0]  }
0x103: {  	v9 =	vshll.u32 v5, $0x10  }
0x104: {  	v5 =	vand.u32 $0xFFFF0000, v5;
	v9 =	vmul.f32 v9, v6  }
0x105: {  	v5 =	vmul.f32 v5, v6  }
0x106: {  	v7 =	vadd.f32 v9, v7  }
0x107: {  	v5 =	vadd.f32 v5, v8  }
0x108: {  	[tilespmem:s29+$0x3CE0] =	vst v7  }
0x109: {  	[tilespmem:s29+$0x40E0] =	vst v5  }
0x10a: {  	v5 =	vld [tilespmem:s26+$0xFFFFFFF0];
	_ =	sdelay $0x2  }
0x10b: {  	v7 =	vld [tilespmem:s29+$0x3CF0]  }
0x10c: {  	v8 =	vld [tilespmem:s29+$0x40F0]  }
0x10d: {  	v9 =	vshll.u32 v5, $0x10  }
0x10e: {  	v5 =	vand.u32 $0xFFFF0000, v5;
	v9 =	vmul.f32 v9, v6  }
0x10f: {  	v5 =	vmul.f32 v5, v6  }
0x110: {  	v6 =	vadd.f32 v9, v7  }
0x111: {  	v5 =	vadd.f32 v5, v8  }
0x112: {  	[tilespmem:s29+$0x3CF0] =	vst v6  }
0x113: {  	[tilespmem:s29+$0x40F0] =	vst v5  }
0x114: {  	v5 =	vld [tilespmem:s25+$0x0];
	_ =	sdelay $0x4  }
0x115: {  	(v2sf) =	vpush v5, $0x0;
	_ =	sdelay $0xe  }
0x116: {  	s29 =	spop (v2sf)  }
0x117: {  	v6 =	vld [tilespmem:s26+$0x0];
	s30 =	sshll.u32 s29, $0x8;
	s29 =	sshll.u32 s29, $0x7  }
0x118: {  	v5 =	vld.msk [tilespmem:s28+$0x0 ss:$0x0], $0xffff;
	s30 =	sand.u32 $0xFFFFF800, s30;
	s29 =	sand.u32 $0x380, s29  }
0x119: {  	s31 =	sor.u32 s29, s30  }
0x11a: {  	v7 =	vld [tilespmem:s31+$0x3C80]  }
0x11b: {  	v8 =	vld [tilespmem:s31+$0x4080]  }
0x11c: {  	v9 =	vshll.u32 v6, $0x10  }
0x11d: {  	v6 =	vand.u32 $0xFFFF0000, v6;
	v9 =	vmul.f32 v9, v5  }
0x11e: {  	v6 =	vmul.f32 v6, v5  }
0x11f: {  	v7 =	vadd.f32 v9, v7  }
0x120: {  	v6 =	vadd.f32 v6, v8  }
0x121: {  	[tilespmem:s31+$0x3C80] =	vst v7  }
0x122: {  	[tilespmem:s31+$0x4080] =	vst v6  }
0x123: {  	v6 =	vld [tilespmem:s26+$0x10];
	_ =	sdelay $0x2  }
0x124: {  	v10 =	vld [tilespmem:s31+$0x3C90]  }
0x125: {  	v11 =	vld [tilespmem:s31+$0x4090]  }
0x126: {  	v13 =	vshll.u32 v6, $0x10  }
0x127: {  	v6 =	vand.u32 $0xFFFF0000, v6;
	v13 =	vmul.f32 v13, v5  }
0x128: {  	v6 =	vmul.f32 v6, v5  }
0x129: {  	v10 =	vadd.f32 v13, v10  }
0x12a: {  	v6 =	vadd.f32 v6, v11  }
0x12b: {  	[tilespmem:s31+$0x3C90] =	vst v10  }
0x12c: {  	[tilespmem:s31+$0x4090] =	vst v6  }
0x12d: {  	v6 =	vld [tilespmem:s26+$0x20];
	_ =	sdelay $0x2  }
0x12e: {  	v12 =	vld [tilespmem:s31+$0x3CA0]  }
0x12f: {  	v9 =	vld [tilespmem:s31+$0x40A0]  }
0x130: {  	v10 =	vshll.u32 v6, $0x10  }
0x131: {  	v6 =	vand.u32 $0xFFFF0000, v6;
	v10 =	vmul.f32 v10, v5  }
0x132: {  	v6 =	vmul.f32 v6, v5  }
0x133: {  	v10 =	vadd.f32 v10, v12  }
0x134: {  	v6 =	vadd.f32 v6, v9  }
0x135: {  	[tilespmem:s31+$0x3CA0] =	vst v10  }
0x136: {  	[tilespmem:s31+$0x40A0] =	vst v6  }
0x137: {  	v6 =	vld [tilespmem:s26+$0x30];
	_ =	sdelay $0x2  }
0x138: {  	v8 =	vld [tilespmem:s31+$0x3CB0]  }
0x139: {  	v7 =	vld [tilespmem:s31+$0x40B0]  }
0x13a: {  	v9 =	vshll.u32 v6, $0x10  }
0x13b: {  	v6 =	vand.u32 $0xFFFF0000, v6;
	v9 =	vmul.f32 v9, v5  }
0x13c: {  	v6 =	vmul.f32 v6, v5  }
0x13d: {  	v10 =	vadd.f32 v9, v8  }
0x13e: {  	v6 =	vadd.f32 v6, v7  }
0x13f: {  	[tilespmem:s31+$0x3CB0] =	vst v10  }
0x140: {  	[tilespmem:s31+$0x40B0] =	vst v6  }
0x141: {  	v6 =	vld [tilespmem:s26+$0x40];
	_ =	sdelay $0x2  }
0x142: {  	v61 =	vld [tilespmem:s31+$0x3CC0]  }
0x143: {  	v11 =	vld [tilespmem:s31+$0x40C0]  }
0x144: {  	v7 =	vshll.u32 v6, $0x10  }
0x145: {  	v6 =	vand.u32 $0xFFFF0000, v6;
	v7 =	vmul.f32 v7, v5  }
0x146: {  	v10 =	vmul.f32 v6, v5  }
0x147: {  	v13 =	vadd.f32 v7, v61  }
0x148: {  	v10 =	vadd.f32 v10, v11  }
0x149: {  	[tilespmem:s31+$0x3CC0] =	vst v13  }
0x14a: {  	[tilespmem:s31+$0x40C0] =	vst v10  }
0x14b: {  	v10 =	vld [tilespmem:s26+$0x50];
	_ =	sdelay $0x2  }
0x14c: {  	v62 =	vld [tilespmem:s31+$0x3CD0]  }
0x14d: {  	v14 =	vld [tilespmem:s31+$0x40D0]  }
0x14e: {  	v11 =	vshll.u32 v10, $0x10  }
0x14f: {  	v10 =	vand.u32 $0xFFFF0000, v10;
	v11 =	vmul.f32 v11, v5  }
0x150: {  	v10 =	vmul.f32 v10, v5  }
0x151: {  	v11 =	vadd.f32 v11, v62  }
0x152: {  	v10 =	vadd.f32 v10, v14  }
0x153: {  	[tilespmem:s31+$0x3CD0] =	vst v11  }
0x154: {  	[tilespmem:s31+$0x40D0] =	vst v10  }
0x155: {  	v10 =	vld [tilespmem:s26+$0x60];
	_ =	sdelay $0x1  }
0x156: {  	v8 =	vld [tilespmem:s31+$0x3CE0]  }
0x157: {  	v9 =	vld [tilespmem:s31+$0x40E0];
	_ =	sdelay $0x1  }
0x158: {  	v6 =	vld [tilespmem:s31+$0x3CF0];
	v11 =	vshll.u32 v10, $0x10;
	v63 =	vand.u32 $0xFFFF0000, v10  }
0x159: {  	s29 =	simm.s32 $0x0;
	s30 =	sadd.s32 $0x100, s26;
	v7 =	vld [tilespmem:s31+$0x40F0];
	v10 =	vmul.f32 v11, v5;
	v11 =	vmul.f32 v63, v5  }
.LBB2_9:
0x15a: {  	s29 =	sadd.s32 $0x2, s29;
	s28 =	sadd.s32 $0x2, s28;
	s25 =	sadd.s32 $0x2, s25  }
0x15b: {  	v8 =	vadd.f32 v10, v8;
	v9 =	vadd.f32 v11, v9;
	p0 =	slt.u32 s29, $0xE;
	_ =	sdelay $0x1  }
0x15c: {  	[tilespmem:s31+$0x3CE0] =	vst v8  }
0x15d: {  	[tilespmem:s31+$0x40E0] =	vst v9  }
0x15e: {  	v8 =	vld [tilespmem:s26+$0x70];
	s26 =	smov.u32 s30;
	_ =	sdelay $0x4  }
0x15f: {  	v9 =	vshll.u32 v8, $0x10;
	v8 =	vand.u32 $0xFFFF0000, v8  }
0x160: {  	v9 =	vmul.f32 v9, v5;
	v5 =	vmul.f32 v8, v5;
	_ =	sdelay $0x1  }
0x161: {  	v6 =	vadd.f32 v9, v6;
	v5 =	vadd.f32 v5, v7;
	_ =	sdelay $0x1  }
0x162: {  	[tilespmem:s31+$0x3CF0] =	vst v6  }
0x163: {  	[tilespmem:s31+$0x40F0] =	vst v5  }
0x164: {  	v5 =	vld [tilespmem:s25+$0xFFFFFFFF];
	_ =	sdelay $0x4  }
0x165: {  	(v2sf) =	vpush v5, $0x0;
	_ =	sdelay $0xe  }
0x166: {  	v5 =	vld.msk [tilespmem:s28+$0xFFFFFFFF ss:$0x0], $0xffff;
	s31 =	spop (v2sf)  }
0x167: {  	v6 =	vld [tilespmem:s30+$0xFFFFFF80];
	s0 =	sshll.u32 s31, $0x8;
	s31 =	sshll.u32 s31, $0x7  }
0x168: {  	s0 =	sand.u32 $0xFFFFF800, s0;
	s31 =	sand.u32 $0x380, s31  }
0x169: {  	s31 =	sor.u32 s31, s0  }
0x16a: {  	v7 =	vld [tilespmem:s31+$0x3C80]  }
0x16b: {  	v8 =	vld [tilespmem:s31+$0x4080]  }
0x16c: {  	v9 =	vshll.u32 v6, $0x10;
	v6 =	vand.u32 $0xFFFF0000, v6  }
0x16d: {  	v9 =	vmul.f32 v9, v5;
	v6 =	vmul.f32 v6, v5;
	_ =	sdelay $0x1  }
0x16e: {  	v7 =	vadd.f32 v9, v7  }
0x16f: {  	v6 =	vadd.f32 v6, v8  }
0x170: {  	[tilespmem:s31+$0x3C80] =	vst v7  }
0x171: {  	[tilespmem:s31+$0x4080] =	vst v6  }
0x172: {  	v6 =	vld [tilespmem:s30+$0xFFFFFF90];
	_ =	sdelay $0x1  }
0x173: {  	v7 =	vld [tilespmem:s31+$0x4090]  }
0x174: {  	v8 =	vld [tilespmem:s31+$0x3C90];
	_ =	sdelay $0x1  }
0x175: {  	v9 =	vshll.u32 v6, $0x10;
	v6 =	vand.u32 $0xFFFF0000, v6  }
0x176: {  	v9 =	vmul.f32 v9, v5;
	v6 =	vmul.f32 v6, v5;
	_ =	sdelay $0x1  }
0x177: {  	v8 =	vadd.f32 v9, v8;
	v6 =	vadd.f32 v6, v7;
	_ =	sdelay $0x1  }
0x178: {  	[tilespmem:s31+$0x3C90] =	vst v8  }
0x179: {  	[tilespmem:s31+$0x4090] =	vst v6  }
0x17a: {  	v6 =	vld [tilespmem:s30+$0xFFFFFFA0];
	_ =	sdelay $0x1  }
0x17b: {  	v7 =	vld [tilespmem:s31+$0x40A0]  }
0x17c: {  	v8 =	vld [tilespmem:s31+$0x3CA0];
	_ =	sdelay $0x1  }
0x17d: {  	v9 =	vshll.u32 v6, $0x10;
	v6 =	vand.u32 $0xFFFF0000, v6  }
0x17e: {  	v9 =	vmul.f32 v9, v5;
	v6 =	vmul.f32 v6, v5;
	_ =	sdelay $0x1  }
0x17f: {  	v8 =	vadd.f32 v9, v8;
	v6 =	vadd.f32 v6, v7;
	_ =	sdelay $0x1  }
0x180: {  	[tilespmem:s31+$0x3CA0] =	vst v8  }
0x181: {  	[tilespmem:s31+$0x40A0] =	vst v6  }
0x182: {  	v6 =	vld [tilespmem:s30+$0xFFFFFFB0];
	_ =	sdelay $0x1  }
0x183: {  	v7 =	vld [tilespmem:s31+$0x40B0]  }
0x184: {  	v8 =	vld [tilespmem:s31+$0x3CB0];
	_ =	sdelay $0x1  }
0x185: {  	v9 =	vshll.u32 v6, $0x10;
	v6 =	vand.u32 $0xFFFF0000, v6  }
0x186: {  	v9 =	vmul.f32 v9, v5;
	v6 =	vmul.f32 v6, v5;
	_ =	sdelay $0x1  }
0x187: {  	v8 =	vadd.f32 v9, v8;
	v6 =	vadd.f32 v6, v7;
	_ =	sdelay $0x1  }
0x188: {  	[tilespmem:s31+$0x3CB0] =	vst v8  }
0x189: {  	[tilespmem:s31+$0x40B0] =	vst v6  }
0x18a: {  	v6 =	vld [tilespmem:s30+$0xFFFFFFC0];
	_ =	sdelay $0x1  }
0x18b: {  	v7 =	vld [tilespmem:s31+$0x40C0]  }
0x18c: {  	v8 =	vld [tilespmem:s31+$0x3CC0];
	_ =	sdelay $0x1  }
0x18d: {  	v9 =	vshll.u32 v6, $0x10;
	v6 =	vand.u32 $0xFFFF0000, v6  }
0x18e: {  	v9 =	vmul.f32 v9, v5;
	v6 =	vmul.f32 v6, v5;
	_ =	sdelay $0x1  }
0x18f: {  	v8 =	vadd.f32 v9, v8;
	v6 =	vadd.f32 v6, v7;
	_ =	sdelay $0x1  }
0x190: {  	[tilespmem:s31+$0x3CC0] =	vst v8  }
0x191: {  	[tilespmem:s31+$0x40C0] =	vst v6  }
0x192: {  	v6 =	vld [tilespmem:s30+$0xFFFFFFD0];
	_ =	sdelay $0x1  }
0x193: {  	v7 =	vld [tilespmem:s31+$0x40D0]  }
0x194: {  	v8 =	vld [tilespmem:s31+$0x3CD0];
	_ =	sdelay $0x1  }
0x195: {  	v9 =	vshll.u32 v6, $0x10;
	v6 =	vand.u32 $0xFFFF0000, v6  }
0x196: {  	v9 =	vmul.f32 v9, v5;
	v6 =	vmul.f32 v6, v5;
	_ =	sdelay $0x1  }
0x197: {  	v8 =	vadd.f32 v9, v8;
	v6 =	vadd.f32 v6, v7;
	_ =	sdelay $0x1  }
0x198: {  	[tilespmem:s31+$0x3CD0] =	vst v8  }
0x199: {  	[tilespmem:s31+$0x40D0] =	vst v6  }
0x19a: {  	v6 =	vld [tilespmem:s30+$0xFFFFFFE0];
	_ =	sdelay $0x1  }
0x19b: {  	v7 =	vld [tilespmem:s31+$0x40E0]  }
0x19c: {  	v8 =	vld [tilespmem:s31+$0x3CE0];
	_ =	sdelay $0x1  }
0x19d: {  	v9 =	vshll.u32 v6, $0x10;
	v6 =	vand.u32 $0xFFFF0000, v6  }
0x19e: {  	v9 =	vmul.f32 v9, v5;
	v6 =	vmul.f32 v6, v5;
	_ =	sdelay $0x1  }
0x19f: {  	v8 =	vadd.f32 v9, v8;
	v6 =	vadd.f32 v6, v7;
	_ =	sdelay $0x1  }
0x1a0: {  	[tilespmem:s31+$0x3CE0] =	vst v8  }
0x1a1: {  	[tilespmem:s31+$0x40E0] =	vst v6  }
0x1a2: {  	v6 =	vld [tilespmem:s30+$0xFFFFFFF0];
	_ =	sdelay $0x1  }
0x1a3: {  	v7 =	vld [tilespmem:s31+$0x40F0]  }
0x1a4: {  	v8 =	vld [tilespmem:s31+$0x3CF0];
	_ =	sdelay $0x1  }
0x1a5: {  	v9 =	vshll.u32 v6, $0x10;
	v6 =	vand.u32 $0xFFFF0000, v6  }
0x1a6: {  	v9 =	vmul.f32 v9, v5;
	v5 =	vmul.f32 v6, v5;
	_ =	sdelay $0x1  }
0x1a7: {  	v6 =	vadd.f32 v9, v8;
	v5 =	vadd.f32 v5, v7;
	_ =	sdelay $0x1  }
0x1a8: {  	[tilespmem:s31+$0x3CF0] =	vst v6  }
0x1a9: {  	[tilespmem:s31+$0x40F0] =	vst v5  }
0x1aa: {  	v5 =	vld [tilespmem:s25+$0x0]  }
0x1ab: {  	v6 =	vld [tilespmem:s30+$0x0];
	_ =	sdelay $0x3  }
0x1ac: {  	(v2sf) =	vpush v5, $0x0;
	_ =	sdelay $0x7  }
0x1ad: {  	v5 =	vld.msk [tilespmem:s28+$0x0 ss:$0x0], $0xffff;
	_ =	sdelay $0x6  }
0x1ae: {  	s0 =	spop (v2sf)  }
0x1af: {  	s31 =	sshll.u32 s0, $0x8;
	s0 =	sshll.u32 s0, $0x7  }
0x1b0: {  	s31 =	sand.u32 $0xFFFFF800, s31;
	s0 =	sand.u32 $0x380, s0  }
0x1b1: {  	s31 =	sor.u32 s0, s31  }
0x1b2: {  	v7 =	vld [tilespmem:s31+$0x3C80]  }
0x1b3: {  	v8 =	vld [tilespmem:s31+$0x4080]  }
0x1b4: {  	v9 =	vshll.u32 v6, $0x10;
	v10 =	vld [tilespmem:s31+$0x3C90]  }
0x1b5: {  	v6 =	vand.u32 $0xFFFF0000, v6;
	v9 =	vmul.f32 v9, v5;
	v11 =	vld [tilespmem:s31+$0x4090]  }
0x1b6: {  	v6 =	vmul.f32 v6, v5;
	v12 =	vld [tilespmem:s31+$0x3CA0]  }
0x1b7: {  	v7 =	vadd.f32 v9, v7;
	v13 =	vld [tilespmem:s31+$0x40A0]  }
0x1b8: {  	v6 =	vadd.f32 v6, v8;
	v14 =	vld [tilespmem:s31+$0x3CB0]  }
0x1b9: {  	[tilespmem:s31+$0x3C80] =	vst v7;
	v15 =	vld [tilespmem:s31+$0x40B0]  }
0x1ba: {  	[tilespmem:s31+$0x4080] =	vst v6;
	v16 =	vld [tilespmem:s31+$0x3CC0]  }
0x1bb: {  	v6 =	vld [tilespmem:s30+$0x10]  }
0x1bc: {  	v17 =	vld [tilespmem:s31+$0x40C0]  }
0x1bd: {  	v18 =	vld [tilespmem:s31+$0x3CD0]  }
0x1be: {  	v19 =	vld [tilespmem:s31+$0x40D0]  }
0x1bf: {  	v8 =	vld [tilespmem:s31+$0x3CE0]  }
0x1c0: {  	v7 =	vshll.u32 v6, $0x10;
	v6 =	vand.u32 $0xFFFF0000, v6;
	v9 =	vld [tilespmem:s31+$0x40E0]  }
0x1c1: {  	v20 =	vmul.f32 v7, v5;
	v21 =	vmul.f32 v6, v5;
	v6 =	vld [tilespmem:s31+$0x3CF0]  }
0x1c2: {  	v7 =	vld [tilespmem:s31+$0x40F0]  }
0x1c3: {  	v10 =	vadd.f32 v20, v10;
	v11 =	vadd.f32 v21, v11;
	_ =	sdelay $0x1  }
0x1c4: {  	[tilespmem:s31+$0x3C90] =	vst v10  }
0x1c5: {  	[tilespmem:s31+$0x4090] =	vst v11  }
0x1c6: {  	v10 =	vld [tilespmem:s30+$0x20];
	_ =	sdelay $0x4  }
0x1c7: {  	v11 =	vshll.u32 v10, $0x10;
	v10 =	vand.u32 $0xFFFF0000, v10  }
0x1c8: {  	v11 =	vmul.f32 v11, v5;
	v10 =	vmul.f32 v10, v5;
	_ =	sdelay $0x1  }
0x1c9: {  	v11 =	vadd.f32 v11, v12;
	v10 =	vadd.f32 v10, v13;
	_ =	sdelay $0x1  }
0x1ca: {  	[tilespmem:s31+$0x3CA0] =	vst v11  }
0x1cb: {  	[tilespmem:s31+$0x40A0] =	vst v10  }
0x1cc: {  	v10 =	vld [tilespmem:s30+$0x30];
	_ =	sdelay $0x4  }
0x1cd: {  	v11 =	vshll.u32 v10, $0x10;
	v10 =	vand.u32 $0xFFFF0000, v10  }
0x1ce: {  	v11 =	vmul.f32 v11, v5;
	v10 =	vmul.f32 v10, v5;
	_ =	sdelay $0x1  }
0x1cf: {  	v11 =	vadd.f32 v11, v14;
	v10 =	vadd.f32 v10, v15;
	_ =	sdelay $0x1  }
0x1d0: {  	[tilespmem:s31+$0x3CB0] =	vst v11  }
0x1d1: {  	[tilespmem:s31+$0x40B0] =	vst v10  }
0x1d2: {  	v10 =	vld [tilespmem:s30+$0x40];
	_ =	sdelay $0x4  }
0x1d3: {  	v11 =	vshll.u32 v10, $0x10;
	v10 =	vand.u32 $0xFFFF0000, v10  }
0x1d4: {  	v11 =	vmul.f32 v11, v5;
	v10 =	vmul.f32 v10, v5;
	_ =	sdelay $0x1  }
0x1d5: {  	v11 =	vadd.f32 v11, v16;
	v10 =	vadd.f32 v10, v17;
	_ =	sdelay $0x1  }
0x1d6: {  	[tilespmem:s31+$0x3CC0] =	vst v11  }
0x1d7: {  	[tilespmem:s31+$0x40C0] =	vst v10  }
0x1d8: {  	v10 =	vld [tilespmem:s30+$0x50];
	_ =	sdelay $0x4  }
0x1d9: {  	v11 =	vshll.u32 v10, $0x10;
	v10 =	vand.u32 $0xFFFF0000, v10  }
0x1da: {  	v11 =	vmul.f32 v11, v5;
	v10 =	vmul.f32 v10, v5;
	_ =	sdelay $0x1  }
0x1db: {  	v11 =	vadd.f32 v11, v18;
	v10 =	vadd.f32 v10, v19;
	_ =	sdelay $0x1  }
0x1dc: {  	[tilespmem:s31+$0x3CD0] =	vst v11  }
0x1dd: {  	[tilespmem:s31+$0x40D0] =	vst v10  }
0x1de: {  	v10 =	vld [tilespmem:s30+$0x60];
	_ =	sdelay $0x1  }
.Ltmp7:
0x1df: {  	(pc) =	sbr.rel @p0 .LBB2_9-.Ltmp7, $3  }
0x1e0: {  	_ =	sdelay $0x1  }
0x1e1: {  	v11 =	vshll.u32 v10, $0x10;
	v12 =	vand.u32 $0xFFFF0000, v10  }
0x1e2: {  	s30 =	sadd.s32 $0x100, s30;
	v10 =	vmul.f32 v11, v5;
	v11 =	vmul.f32 v12, v5  }
.Ltmp8:
0x1e3: {  	_ = 	snop;
	(pc) =	sbr.rel .LBB2_10-.Ltmp8, $1  }
0x1e4: {  	_ =	sdelay $0x3  }
.LBB2_13:
0x1e5: {  	s0 =	simm.s32 $0x0;
	s19 =	simm.s32 $0x0  }
0x1e6: {  	s20 =	simm.s32 $0x0;
	s19 =	sand.u32 $0x1F800, s19;
	s0 =	sand.u32 $0x400, s0  }
0x1e7: {  	s20 =	sand.u32 $0x380, s20;
	s0 =	sor.u32 s0, s19  }
0x1e8: {  	s20 =	sor.u32 s20, s0  }
0x1e9: {  	v5 =	vld [tilespmem:s20+$0x3CF0]  }
0x1ea: {  	v6 =	vld [tilespmem:s20+$0x3C80]  }
0x1eb: {  	v7 =	vld [tilespmem:s20+$0x3C90]  }
0x1ec: {  	v10 =	vld [tilespmem:s20+$0x3CA0]  }
0x1ed: {  	s30 =	simm.s32 $0x80;
	s21 =	simm.s32 $0x400;
	v11 =	vld [tilespmem:s20+$0x3CB0]  }
0x1ee: {  	s22 =	simm.s32 $0x40;
	s31 =	sand.u32 $0x400, s21;
	s0 =	sand.u32 $0x1F800, s30;
	v12 =	vld [tilespmem:s20+$0x3CC0];
	v5 =	vmax.f32 v5, $0.0e+00  }
0x1ef: {  	s22 =	sand.u32 $0x380, s22;
	s0 =	sor.u32 s31, s0;
	v8 =	vld [tilespmem:s20+$0x3CD0];
	v6 =	vmax.f32 v6, $0.0e+00;
	[tilespmem:s20+$0x3CF0] =	vst v5  }
0x1f0: {  	v9 =	vld [tilespmem:s20+$0x3CE0];
	s19 =	sor.u32 s22, s0;
	[tilespmem:s20+$0x3C80] =	vst v6;
	v5 =	vmax.f32 v7, $0.0e+00  }
0x1f1: {  	v6 =	vld [tilespmem:s19+$0x3CF0];
	[tilespmem:s20+$0x3C90] =	vst v5;
	v5 =	vmax.f32 v10, $0.0e+00  }
0x1f2: {  	v7 =	vld [tilespmem:s19+$0x3C80];
	v10 =	vmax.f32 v11, $0.0e+00;
	[tilespmem:s20+$0x3CA0] =	vst v5  }
0x1f3: {  	s22 =	simm.s32 $0x8;
	v5 =	vld [tilespmem:s19+$0x3C90];
	[tilespmem:s20+$0x3CB0] =	vst v10;
	v10 =	vmax.f32 v12, $0.0e+00  }
.LBB2_14:
0x1f4: {  	s22 =	sadd.s32 $0x8, s22;
	v11 =	vld [tilespmem:s19+$0x3CA0];
	[tilespmem:s20+$0x3CC0] =	vst v10;
	v8 =	vmax.f32 v8, $0.0e+00  }
0x1f5: {  	s21 =	sadd.s32 $0x400, s21;
	s0 =	sshll.u32 s22, $0x4;
	p0 =	slt.u32 s22, $0x13F8;
	v10 =	vld [tilespmem:s19+$0x3CB0];
	[tilespmem:s20+$0x3CD0] =	vst v8;
	v8 =	vmax.f32 v9, $0.0e+00  }
0x1f6: {  	s23 =	sand.u32 $0x400, s21;
	s24 =	sshll.u32 s22, $0x3;
	s0 =	sand.u32 $0x1F800, s0;
	v12 =	vld [tilespmem:s19+$0x3CC0];
	v6 =	vmax.f32 v6, $0.0e+00;
	[tilespmem:s20+$0x3CE0] =	vst v8  }
.Ltmp9:
0x1f7: {  	s24 =	sand.u32 $0x380, s24;
	s0 =	sor.u32 s23, s0;
	v7 =	vmax.f32 v7, $0.0e+00;
	v8 =	vld [tilespmem:s19+$0x3CD0];
	[tilespmem:s19+$0x3CF0] =	vst v6;
	(pc) =	sbr.rel @p0 .LBB2_14-.Ltmp9, $4  }
0x1f8: {  	s20 =	smov.u32 s19;
	[tilespmem:s19+$0x3C80] =	vst v7;
	v5 =	vmax.f32 v5, $0.0e+00;
	v9 =	vld [tilespmem:s19+$0x3CE0];
	s19 =	sor.u32 s24, s0  }
0x1f9: {  	v6 =	vld [tilespmem:s19+$0x3CF0];
	[tilespmem:s20+$0x3C90] =	vst v5;
	v5 =	vmax.f32 v11, $0.0e+00  }
0x1fa: {  	v7 =	vld [tilespmem:s19+$0x3C80];
	[tilespmem:s20+$0x3CA0] =	vst v5;
	v10 =	vmax.f32 v10, $0.0e+00  }
0x1fb: {  	v5 =	vld [tilespmem:s19+$0x3C90];
	[tilespmem:s20+$0x3CB0] =	vst v10;
	v10 =	vmax.f32 v12, $0.0e+00  }
0x1fc: {  	v11 =	vld [tilespmem:s19+$0x3CA0];
	[tilespmem:s20+$0x3CC0] =	vst v10;
	v8 =	vmax.f32 v8, $0.0e+00  }
0x1fd: {  	v60 =	vld [tilespmem:s19+$0x3CB0];
	[tilespmem:s20+$0x3CD0] =	vst v8;
	v61 =	vmax.f32 v9, $0.0e+00  }
0x1fe: {  	v62 =	vld [tilespmem:s19+$0x3CC0];
	v6 =	vmax.f32 v6, $0.0e+00;
	[tilespmem:s20+$0x3CE0] =	vst v61  }
0x1ff: {  	v63 =	vld [tilespmem:s19+$0x3CD0];
	v7 =	vmax.f32 v7, $0.0e+00;
	[tilespmem:s19+$0x3CF0] =	vst v6  }
0x200: {  	v6 =	vld [tilespmem:s19+$0x3CE0];
	[tilespmem:s19+$0x3C80] =	vst v7;
	v5 =	vmax.f32 v5, $0.0e+00  }
0x201: {  	[tilespmem:s19+$0x3C90] =	vst v5;
	v5 =	vmax.f32 v11, $0.0e+00  }
0x202: {  	[tilespmem:s19+$0x3CA0] =	vst v5;
	v5 =	vmax.f32 v60, $0.0e+00  }
0x203: {  	[tilespmem:s19+$0x3CB0] =	vst v5;
	v5 =	vmax.f32 v62, $0.0e+00  }
0x204: {  	s18 =	sadd.s32 $0x1, s18;
	[tilespmem:s19+$0x3CC0] =	vst v5;
	v5 =	vmax.f32 v63, $0.0e+00  }
0x205: {  	p0 =	sne.s32 s18, s9;
	[tilespmem:s19+$0x3CD0] =	vst v5;
	v5 =	vmax.f32 v6, $0.0e+00  }
.Ltmp10:
0x206: {  	[tilespmem:s19+$0x3CE0] =	vst v5;
	(pc) =	sbr.rel @p0 .LBB2_1-.Ltmp10, $4  }
0x207: {  	[hbm4b:s8+s3] =	stream.linear.scatter [tilespmem:s16], [sflag:$0x3], $0x14000, $0x38;
	[tilespmem:$0x17C80] =	vst v63  }
0x208: {  	_ =	swait.ge [sflag:s17], $0x14000  }
0x209: {  	[sflag:s17] =	ssyncset.done $0x0  }
0x20a: {  	[sflag:s17] =	ssyncadd.s32 $0xFFFEC000  }
0x20b: {  	_ =	sfence.sel $0x180000  }
0x20c: {  	[bflag:$0x0] =	sbarrier.arrive $0xFFFF  }
0x20d: {  	_ =	strace $0x90000047  }
0x20e: {  	[bflag:$0x2] =	sbarrier.arrive $0xFFFF  }
0x20f: {  	p0 =	sne.s32 s1, $0x0;
	s0 =	rddreg [dreg:$0x2]  }
0x210: {  	s0 =	sadd.s32 @!p0 $0x100000, s0  }
0x211: {  	[sflag:s0] =	ssyncadd.tile.s32 @!p0 $0x1;
	_ =	shalt  }
.Lfunc_end2:
_tile_overlayer_lowered:
.L_overlay_start_2:
0x212: {  	(tag) =	ssettag $0x2  }
0x213: {  	s0 =	rddreg [dreg:$0x0];
	s2 =	stileid.u32  }
0x214: {  	s1 =	rddreg [dreg:$0x1];
	p0 =	sne.s32 s2, $0x0  }
0x215: {  	s3 =	rddreg [dreg:$0x2];
	[bflag:$0x3] =	sbarrier.arrive $0xFFFF;
	s2 =	simm.s32 @!p0 $0x1C03  }
0x216: {  	[timem:s3], [sflag:s2] =	dma.local @!p0 [hbm:s0], s1  }
0x217: {  	s0 =	simm.s32 @!p0 $0x3  }
0x218: {  	_ =	swait.ge @!p0 [sflag:s0], s1  }
0x219: {  	s1 =	ssub.s32 @!p0 $0x0, s1;
	[sflag:s0] =	ssyncset.done @!p0 $0x0  }
0x21a: {  	[sflag:s0] =	ssyncadd.s32 @!p0 s1  }
0x21b: {  	[bflag:$0x3] =	sbarrier.arrive $0xFFFF  }
0x21c: {  	_ =	shalt  }

</sc_bundles>
